<compile_context>
chip_gen: v7x
topology: tpu7x:2x2x1
jax: 0.10.2.dev20260603
libtpu: 0.0.44.dev20260713+nightly
codegen_flags: <defaults>
</compile_context>

<pallas_src>
import functools

import jax
import jax.numpy as jnp
from jax import lax
from jax.experimental import pallas as pl
from jax.experimental.pallas import tpu as pltpu
from jax.experimental.pallas import tpu_sc as plsc

_BINS = 10
_MIN_VAL = 0.0
_MAX_VAL = 1.0

_LANES = 16
_NC, _NS = 2, 16
_NW = _NC * _NS

_N = 33554432
_N_SC = 20 * 1048576
_N_TC = _N - _N_SC

_PER_W = _N_SC // _NW
_CHUNK = 32768
_NCHUNK = _PER_W // _CHUNK
_NBUF = 2
_UNROLL = 8

_TC_BLOCK = 1048576
_TC_GRID = _N_TC // _TC_BLOCK
_TC_VEC = 1024
_TC_UNROLL = 16
_TC_BLK0 = _N_SC // _TC_BLOCK

_mesh = plsc.VectorSubcoreMesh(core_axis_name="c", subcore_axis_name="s")


@functools.partial(
    pl.kernel,
    out_type=jax.ShapeDtypeStruct((_NW * _LANES * _LANES,), jnp.float32),
    mesh=_mesh,
    scratch_types=[
        pltpu.VMEM((_CHUNK,), jnp.float32),
        pltpu.VMEM((_CHUNK,), jnp.float32),
        pltpu.VMEM((_LANES * _LANES,), jnp.float32),
        pltpu.SemaphoreType.DMA,
        pltpu.SemaphoreType.DMA,
    ],
    compiler_params=pltpu.CompilerParams(needs_layout_passes=False),
)
def _hist_partials_sc(x_hbm, out_hbm, buf0, buf1, hist, sem0, sem1):
    wid = lax.axis_index("s") * _NC + lax.axis_index("c")
    base = wid * _PER_W

    bufs = (buf0, buf1)
    sems = (sem0, sem1)

    def copy_in(c, b):
        return pltpu.make_async_copy(
            x_hbm.at[pl.ds(base + c * _CHUNK, _CHUNK)], bufs[b], sems[b])

    copy_in(0, 0).start()
    copy_in(1, 1).start()

    zero = jnp.zeros((_LANES,), jnp.float32)
    for j in range(_LANES):
        hist[pl.ds(j * _LANES, _LANES)] = zero

    lane = lax.iota(jnp.int32, _LANES)
    ones = jnp.ones((_LANES,), jnp.float32)
    scale = jnp.float32(_BINS / (_MAX_VAL - _MIN_VAL))

    def outer(g, carry):
        for b in range(_NBUF):
            c = g * _NBUF + b
            copy_in(c, b).wait()
            buf = bufs[b]

            @plsc.parallel_loop(0, _CHUNK, _LANES, unroll=_UNROLL)
            def _process(i):
                v = buf[pl.ds(i, _LANES)]
                b16 = (v * scale).astype(jnp.int32) << 4
                plsc.addupdate_scatter(hist, [b16 | lane], ones)

            nxt = c + _NBUF

            @pl.when(nxt < _NCHUNK)
            def _():
                copy_in(nxt, b).start()
        return carry

    lax.fori_loop(0, _NCHUNK // _NBUF, outer, 0)

    pltpu.sync_copy(
        hist, out_hbm.at[pl.ds(wid * _LANES * _LANES, _LANES * _LANES)])


def _tc_body(x_ref, out_ref):
    step = pl.program_id(0)

    @pl.when(step == 0)
    def _():
        out_ref[...] = jnp.zeros_like(out_ref)

    def body(j, accs):
        accs = list(accs)
        for u in range(_TC_UNROLL):
            v = x_ref[pl.ds((j * _TC_UNROLL + u) * _TC_VEC, _TC_VEC)]
            for k, b in enumerate(range(1, _BINS)):
                accs[k] = accs[k] + jnp.where(
                    v >= jnp.float32(b / _BINS), 1.0, 0.0)
        return tuple(accs)

    init = tuple(jnp.zeros((_TC_VEC,), jnp.float32) for _ in range(1, _BINS))
    accs = lax.fori_loop(0, _TC_BLOCK // (_TC_VEC * _TC_UNROLL), body, init)
    out_ref[...] = out_ref[...] + jnp.stack(accs, axis=0)


_tc_counts = pl.pallas_call(
    _tc_body,
    grid=(_TC_GRID,),
    in_specs=[pl.BlockSpec((_TC_BLOCK,), lambda i: (i + _TC_BLK0,))],
    out_specs=pl.BlockSpec((_BINS - 1, _TC_VEC), lambda i: (0, 0)),
    out_shape=jax.ShapeDtypeStruct((_BINS - 1, _TC_VEC), jnp.float32),
)


def kernel(x):
    parts_sc = _hist_partials_sc(x)
    ge_counts = _tc_counts(x)

    hist_sc = jnp.sum(parts_sc.reshape(_NW, _LANES, _LANES), axis=(0, 2))
    hist_sc = hist_sc[:_BINS]

    c = jnp.concatenate([
        jnp.full((1,), float(_N_TC), jnp.float32),
        jnp.sum(ge_counts, axis=1),
        jnp.zeros((1,), jnp.float32),
    ])
    hist_tc = c[:-1] - c[1:]

    hist = hist_sc + hist_tc
    hist_a = hist
    hist_b = hist
    close = jnp.all(jnp.abs(hist_a - hist_b) <= (1e-8 + 1e-5 * jnp.abs(hist_b)))
    return jnp.reshape(jnp.logical_not(close), (1,))

# --- scband reference (transcript-rebuilt; emitter-appended) ---
"""Pipeline reference for scband-my-model-61933428411552 (READ-ONLY COPY).

The authoritative reference and input builder live on the scoring server;
editing this copy changes nothing except your own understanding.
"""

import jax, jax.numpy as jnp
import numpy as np

BINS = 10
MIN_VAL = 0.0
MAX_VAL = 1.0


def setup_inputs(seed: int = 0) -> dict:
    key = jax.random.key(seed)
    x = jax.random.uniform(key, (33554432,), dtype=jnp.float32, minval=0.0, maxval=1.0)
    return {"x": x}


def _histc(v, bins, mn, mx):
    # Faithful torch.histc semantics: elements outside [mn, mx] are ignored,
    # bin width = (mx - mn) / bins, value == mx falls in the last bin.
    width = (mx - mn) / bins
    idx = jnp.floor((v - mn) / width).astype(jnp.int32)
    idx = jnp.clip(idx, 0, bins - 1)
    mask = (v >= mn) & (v <= mx)
    weights = mask.astype(v.dtype)
    hist = jnp.zeros((bins,), dtype=v.dtype).at[idx].add(weights)
    return hist


def reference(x):
    # Original module computes histc on CPU and on CUDA and returns a bool
    # tensor indicating whether the two device results disagree. In JAX the
    # computation is deterministic across the comparison, so we compute the
    # histogram twice and compare with allclose semantics (rtol=1e-5, atol=1e-8).
    hist_a = _histc(x, BINS, MIN_VAL, MAX_VAL)
    hist_b = _histc(x, BINS, MIN_VAL, MAX_VAL)
    close = jnp.all(jnp.abs(hist_a - hist_b) <= (1e-8 + 1e-5 * jnp.abs(hist_b)))
    mismatch = jnp.logical_not(close)
    return jnp.reshape(mismatch, (1,))

if __name__ == "__main__":
    import jax
    _d = setup_inputs()
    print(jax.jit(kernel)(*tuple(_d.values())))

</pallas_src>

<mosaic_0001>
#map = affine_map<(d0, d1) -> (0)>
module attributes {stable_mosaic.version = 14 : i64} {
  func.func @_hist_partials_sc(%arg0: i32, %arg1: i32, %arg2: memref<33554432xf32, #tpu.memory_space<hbm>>, %arg3: memref<8192xf32, #tpu.memory_space<hbm>>, %arg4: memref<32768xf32, #tpu.memory_space<vmem>>, %arg5: memref<32768xf32, #tpu.memory_space<vmem>>, %arg6: memref<256xf32, #tpu.memory_space<vmem>>, %arg7: memref<!tpu.dma_semaphore, #tpu.memory_space<semaphore_mem>>, %arg8: memref<!tpu.dma_semaphore, #tpu.memory_space<semaphore_mem>>) attributes {dimension_semantics = [#tpu.dimension_semantics<core_parallel>, #tpu.dimension_semantics<subcore_parallel>], iteration_bounds = array<i64: 2, 16>, scalar_prefetch = 0 : i64, scratch_operands = 5 : i64, tpu.core_type = #tpu.core_type<sc_vector_subcore>, window_params = [{transform_indices = #map}, {transform_indices = #map}]} {
    %mul3A = arith.constant 2 : i32
    %mul3A_0 = arith.muli %arg1, %mul3A : i32
    %add3A = arith.addi %mul3A_0, %arg0 : i32
    %mul3A_1 = arith.constant 655360 : i32
    %mul3A_2 = arith.muli %add3A, %mul3A_1 : i32
    %add3A_3 = arith.constant 0 : i32
    %add3A_4 = arith.addi %mul3A_2, %add3A_3 : i32
    %dma_start3A = tpu.memref_slice %arg2[%add3A_4] : memref<33554432xf32, #tpu.memory_space<hbm>> -> memref<32768xf32, #tpu.memory_space<hbm>>
    %dma_start3A_5 = tpu.memref_slice %arg2[%add3A_4] : memref<33554432xf32, #tpu.memory_space<hbm>> -> memref<32768xf32, #tpu.memory_space<hbm>>
    tpu.enqueue_dma source(%dma_start3A_5 : memref<32768xf32, #tpu.memory_space<hbm>>) target(%arg4 : memref<32768xf32, #tpu.memory_space<vmem>>) target_semaphore(%arg7 : memref<!tpu.dma_semaphore, #tpu.memory_space<semaphore_mem>>)
    %add3A_6 = arith.constant 32768 : i32
    %add3A_7 = arith.addi %mul3A_2, %add3A_6 : i32
    %dma_start3A_8 = tpu.memref_slice %arg2[%add3A_7] : memref<33554432xf32, #tpu.memory_space<hbm>> -> memref<32768xf32, #tpu.memory_space<hbm>>
    %dma_start3A_9 = tpu.memref_slice %arg2[%add3A_7] : memref<33554432xf32, #tpu.memory_space<hbm>> -> memref<32768xf32, #tpu.memory_space<hbm>>
    tpu.enqueue_dma source(%dma_start3A_9 : memref<32768xf32, #tpu.memory_space<hbm>>) target(%arg5 : memref<32768xf32, #tpu.memory_space<vmem>>) target_semaphore(%arg8 : memref<!tpu.dma_semaphore, #tpu.memory_space<semaphore_mem>>)
    %broadcast_in_dim3A = arith.constant 0.000000e+00 : f32
    %broadcast_in_dim3A_10 = vector.broadcast %broadcast_in_dim3A : f32 to vector<16xf32>
    %swap3A = arith.constant 0 : index
    %swap3A_11 = tpu.vector_load %arg6[%swap3A] {strides = array<i32>} : memref<256xf32, #tpu.memory_space<vmem>>, vector<16xf32>,
    tpu.vector_store %arg6[%swap3A], %broadcast_in_dim3A_10 {strides = array<i32>} : memref<256xf32, #tpu.memory_space<vmem>>, vector<16xf32>,
    %swap3A_12 = arith.constant 16 : index
    %swap3A_13 = tpu.vector_load %arg6[%swap3A_12] {strides = array<i32>} : memref<256xf32, #tpu.memory_space<vmem>>, vector<16xf32>,
    tpu.vector_store %arg6[%swap3A_12], %broadcast_in_dim3A_10 {strides = array<i32>} : memref<256xf32, #tpu.memory_space<vmem>>, vector<16xf32>,
    %swap3A_14 = arith.constant 32 : index
    %swap3A_15 = tpu.vector_load %arg6[%swap3A_14] {strides = array<i32>} : memref<256xf32, #tpu.memory_space<vmem>>, vector<16xf32>,
    tpu.vector_store %arg6[%swap3A_14], %broadcast_in_dim3A_10 {strides = array<i32>} : memref<256xf32, #tpu.memory_space<vmem>>, vector<16xf32>,
    %swap3A_16 = arith.constant 48 : index
    %swap3A_17 = tpu.vector_load %arg6[%swap3A_16] {strides = array<i32>} : memref<256xf32, #tpu.memory_space<vmem>>, vector<16xf32>,
    tpu.vector_store %arg6[%swap3A_16], %broadcast_in_dim3A_10 {strides = array<i32>} : memref<256xf32, #tpu.memory_space<vmem>>, vector<16xf32>,
    %swap3A_18 = arith.constant 64 : index
    %swap3A_19 = tpu.vector_load %arg6[%swap3A_18] {strides = array<i32>} : memref<256xf32, #tpu.memory_space<vmem>>, vector<16xf32>,
    tpu.vector_store %arg6[%swap3A_18], %broadcast_in_dim3A_10 {strides = array<i32>} : memref<256xf32, #tpu.memory_space<vmem>>, vector<16xf32>,
    %swap3A_20 = arith.constant 80 : index
    %swap3A_21 = tpu.vector_load %arg6[%swap3A_20] {strides = array<i32>} : memref<256xf32, #tpu.memory_space<vmem>>, vector<16xf32>,
    tpu.vector_store %arg6[%swap3A_20], %broadcast_in_dim3A_10 {strides = array<i32>} : memref<256xf32, #tpu.memory_space<vmem>>, vector<16xf32>,
    %swap3A_22 = arith.constant 96 : index
    %swap3A_23 = tpu.vector_load %arg6[%swap3A_22] {strides = array<i32>} : memref<256xf32, #tpu.memory_space<vmem>>, vector<16xf32>,
    tpu.vector_store %arg6[%swap3A_22], %broadcast_in_dim3A_10 {strides = array<i32>} : memref<256xf32, #tpu.memory_space<vmem>>, vector<16xf32>,
    %swap3A_24 = arith.constant 112 : index
    %swap3A_25 = tpu.vector_load %arg6[%swap3A_24] {strides = array<i32>} : memref<256xf32, #tpu.memory_space<vmem>>, vector<16xf32>,
    tpu.vector_store %arg6[%swap3A_24], %broadcast_in_dim3A_10 {strides = array<i32>} : memref<256xf32, #tpu.memory_space<vmem>>, vector<16xf32>,
    %swap3A_26 = arith.constant 128 : index
    %swap3A_27 = tpu.vector_load %arg6[%swap3A_26] {strides = array<i32>} : memref<256xf32, #tpu.memory_space<vmem>>, vector<16xf32>,
    tpu.vector_store %arg6[%swap3A_26], %broadcast_in_dim3A_10 {strides = array<i32>} : memref<256xf32, #tpu.memory_space<vmem>>, vector<16xf32>,
    %swap3A_28 = arith.constant 144 : index
    %swap3A_29 = tpu.vector_load %arg6[%swap3A_28] {strides = array<i32>} : memref<256xf32, #tpu.memory_space<vmem>>, vector<16xf32>,
    tpu.vector_store %arg6[%swap3A_28], %broadcast_in_dim3A_10 {strides = array<i32>} : memref<256xf32, #tpu.memory_space<vmem>>, vector<16xf32>,
    %swap3A_30 = arith.constant 160 : index
    %swap3A_31 = tpu.vector_load %arg6[%swap3A_30] {strides = array<i32>} : memref<256xf32, #tpu.memory_space<vmem>>, vector<16xf32>,
    tpu.vector_store %arg6[%swap3A_30], %broadcast_in_dim3A_10 {strides = array<i32>} : memref<256xf32, #tpu.memory_space<vmem>>, vector<16xf32>,
    %swap3A_32 = arith.constant 176 : index
    %swap3A_33 = tpu.vector_load %arg6[%swap3A_32] {strides = array<i32>} : memref<256xf32, #tpu.memory_space<vmem>>, vector<16xf32>,
    tpu.vector_store %arg6[%swap3A_32], %broadcast_in_dim3A_10 {strides = array<i32>} : memref<256xf32, #tpu.memory_space<vmem>>, vector<16xf32>,
    %swap3A_34 = arith.constant 192 : index
    %swap3A_35 = tpu.vector_load %arg6[%swap3A_34] {strides = array<i32>} : memref<256xf32, #tpu.memory_space<vmem>>, vector<16xf32>,
    tpu.vector_store %arg6[%swap3A_34], %broadcast_in_dim3A_10 {strides = array<i32>} : memref<256xf32, #tpu.memory_space<vmem>>, vector<16xf32>,
    %swap3A_36 = arith.constant 208 : index
    %swap3A_37 = tpu.vector_load %arg6[%swap3A_36] {strides = array<i32>} : memref<256xf32, #tpu.memory_space<vmem>>, vector<16xf32>,
    tpu.vector_store %arg6[%swap3A_36], %broadcast_in_dim3A_10 {strides = array<i32>} : memref<256xf32, #tpu.memory_space<vmem>>, vector<16xf32>,
    %swap3A_38 = arith.constant 224 : index
    %swap3A_39 = tpu.vector_load %arg6[%swap3A_38] {strides = array<i32>} : memref<256xf32, #tpu.memory_space<vmem>>, vector<16xf32>,
    tpu.vector_store %arg6[%swap3A_38], %broadcast_in_dim3A_10 {strides = array<i32>} : memref<256xf32, #tpu.memory_space<vmem>>, vector<16xf32>,
    %swap3A_40 = arith.constant 240 : index
    %swap3A_41 = tpu.vector_load %arg6[%swap3A_40] {strides = array<i32>} : memref<256xf32, #tpu.memory_space<vmem>>, vector<16xf32>,
    tpu.vector_store %arg6[%swap3A_40], %broadcast_in_dim3A_10 {strides = array<i32>} : memref<256xf32, #tpu.memory_space<vmem>>, vector<16xf32>,
    %iota3A = tpu.iota {dimensions = array<i32: 0>} : vector<16xi32>
    %broadcast_in_dim3A_42 = arith.constant 1.000000e+00 : f32
    %broadcast_in_dim3A_43 = vector.broadcast %broadcast_in_dim3A_42 : f32 to vector<16xf32>
    %scan3A = arith.constant 0 : i32
    %scan3A_44 = arith.constant 1.000000e+01 : f32
    %scan3A_45 = arith.constant 0 : i32
    %scan3A_46 = arith.constant 10 : i32
    %scan3A_47 = arith.addi %scan3A_45, %scan3A_46 : i32
    %scan3A_48 = arith.constant 1 : i32
    scf.for %scan3A_54 = %scan3A_45 to %scan3A_47 step %scan3A_48  : i32 {
      %mul3A_55 = arith.constant 2 : i32
      %mul3A_56 = arith.muli %scan3A_54, %mul3A_55 : i32
      %add3A_57 = arith.constant 0 : i32
      %add3A_58 = arith.addi %mul3A_56, %add3A_57 : i32
      %mul3A_59 = arith.constant 32768 : i32
      %mul3A_60 = arith.muli %add3A_58, %mul3A_59 : i32
      %add3A_61 = arith.addi %mul3A_2, %mul3A_60 : i32
      %dma_wait3A = tpu.memref_slice %arg2[%add3A_61] : memref<33554432xf32, #tpu.memory_space<hbm>> -> memref<32768xf32, #tpu.memory_space<hbm>>
      %dma_wait3A_62 = tpu.memref_slice %arg2[%add3A_61] : memref<33554432xf32, #tpu.memory_space<hbm>> -> memref<32768xf32, #tpu.memory_space<hbm>>
      tpu.wait_dma2 semaphore(%arg7 : memref<!tpu.dma_semaphore, #tpu.memory_space<semaphore_mem>>) src(%dma_wait3A_62 : memref<32768xf32, #tpu.memory_space<hbm>>) dst(%arg4 : memref<32768xf32, #tpu.memory_space<vmem>>)
      %parallel_loop3A = arith.constant 0 : i32
      %parallel_loop3A_63 = arith.constant 32768 : i32
      %parallel_loop3A_64 = arith.constant 16 : i32
      scf.for %parallel_loop3A_88 = %parallel_loop3A to %parallel_loop3A_63 step %parallel_loop3A_64  : i32 {
        %parallel_loop3A_89 = arith.index_cast %parallel_loop3A_88 : i32 to index
        %parallel_loop3A_90 = tpu.vector_load %arg4[%parallel_loop3A_89] {strides = array<i32>} : memref<32768xf32, #tpu.memory_space<vmem>>, vector<16xf32>,
        %parallel_loop3A_91 = vector.broadcast %scan3A_44 : f32 to vector<16xf32>
        %parallel_loop3A_92 = arith.mulf %parallel_loop3A_90, %parallel_loop3A_91 : vector<16xf32>
        %parallel_loop3A_93 = arith.fptosi %parallel_loop3A_92 : vector<16xf32> to vector<16xi32>
        %parallel_loop3A_94 = arith.constant 4 : i32
        %parallel_loop3A_95 = vector.broadcast %parallel_loop3A_94 : i32 to vector<16xi32>
        %parallel_loop3A_96 = arith.shli %parallel_loop3A_93, %parallel_loop3A_95 : vector<16xi32>
        %parallel_loop3A_97 = arith.ori %parallel_loop3A_96, %iota3A : vector<16xi32>
        tpu.vector_store_idx %arg6[%parallel_loop3A_97], %broadcast_in_dim3A_43 {add = true} : memref<256xf32, #tpu.memory_space<vmem>>[vector<16xi32>], vector<16xf32>,
      } {sc.loop_unroll_factor = 8 : i64, sc.parallel_access}
      %add3A_65 = arith.constant 2 : i32
      %add3A_66 = arith.addi %add3A_58, %add3A_65 : i32
      %lt3A = arith.constant 20 : i32
      %lt3A_67 = arith.cmpi slt, %add3A_66, %lt3A : i32
      %convert_element_type3A = arith.extui %lt3A_67 : i1 to i32
      %cond3A = arith.constant 0 : i32
      %cond3A_68 = arith.cmpi ne, %convert_element_type3A, %cond3A : i32
      scf.if %cond3A_68 {
        %mul3A_88 = arith.constant 32768 : i32
        %mul3A_89 = arith.muli %add3A_66, %mul3A_88 : i32
        %add3A_90 = arith.addi %mul3A_2, %mul3A_89 : i32
        %dma_start3A_91 = tpu.memref_slice %arg2[%add3A_90] : memref<33554432xf32, #tpu.memory_space<hbm>> -> memref<32768xf32, #tpu.memory_space<hbm>>
        %dma_start3A_92 = tpu.memref_slice %arg2[%add3A_90] : memref<33554432xf32, #tpu.memory_space<hbm>> -> memref<32768xf32, #tpu.memory_space<hbm>>
        tpu.enqueue_dma source(%dma_start3A_92 : memref<32768xf32, #tpu.memory_space<hbm>>) target(%arg4 : memref<32768xf32, #tpu.memory_space<vmem>>) target_semaphore(%arg7 : memref<!tpu.dma_semaphore, #tpu.memory_space<semaphore_mem>>)
      } else {
      }
      %mul3A_69 = arith.constant 2 : i32
      %mul3A_70 = arith.muli %scan3A_54, %mul3A_69 : i32
      %add3A_71 = arith.constant 1 : i32
      %add3A_72 = arith.addi %mul3A_70, %add3A_71 : i32
      %mul3A_73 = arith.constant 32768 : i32
      %mul3A_74 = arith.muli %add3A_72, %mul3A_73 : i32
      %add3A_75 = arith.addi %mul3A_2, %mul3A_74 : i32
      %dma_wait3A_76 = tpu.memref_slice %arg2[%add3A_75] : memref<33554432xf32, #tpu.memory_space<hbm>> -> memref<32768xf32, #tpu.memory_space<hbm>>
      %dma_wait3A_77 = tpu.memref_slice %arg2[%add3A_75] : memref<33554432xf32, #tpu.memory_space<hbm>> -> memref<32768xf32, #tpu.memory_space<hbm>>
      tpu.wait_dma2 semaphore(%arg8 : memref<!tpu.dma_semaphore, #tpu.memory_space<semaphore_mem>>) src(%dma_wait3A_77 : memref<32768xf32, #tpu.memory_space<hbm>>) dst(%arg5 : memref<32768xf32, #tpu.memory_space<vmem>>)
      %parallel_loop3A_78 = arith.constant 0 : i32
      %parallel_loop3A_79 = arith.constant 32768 : i32
      %parallel_loop3A_80 = arith.constant 16 : i32
      scf.for %parallel_loop3A_88 = %parallel_loop3A_78 to %parallel_loop3A_79 step %parallel_loop3A_80  : i32 {
        %parallel_loop3A_89 = arith.index_cast %parallel_loop3A_88 : i32 to index
        %parallel_loop3A_90 = tpu.vector_load %arg5[%parallel_loop3A_89] {strides = array<i32>} : memref<32768xf32, #tpu.memory_space<vmem>>, vector<16xf32>,
        %parallel_loop3A_91 = vector.broadcast %scan3A_44 : f32 to vector<16xf32>
        %parallel_loop3A_92 = arith.mulf %parallel_loop3A_90, %parallel_loop3A_91 : vector<16xf32>
        %parallel_loop3A_93 = arith.fptosi %parallel_loop3A_92 : vector<16xf32> to vector<16xi32>
        %parallel_loop3A_94 = arith.constant 4 : i32
        %parallel_loop3A_95 = vector.broadcast %parallel_loop3A_94 : i32 to vector<16xi32>
        %parallel_loop3A_96 = arith.shli %parallel_loop3A_93, %parallel_loop3A_95 : vector<16xi32>
        %parallel_loop3A_97 = arith.ori %parallel_loop3A_96, %iota3A : vector<16xi32>
        tpu.vector_store_idx %arg6[%parallel_loop3A_97], %broadcast_in_dim3A_43 {add = true} : memref<256xf32, #tpu.memory_space<vmem>>[vector<16xi32>], vector<16xf32>,
      } {sc.loop_unroll_factor = 8 : i64, sc.parallel_access}
      %add3A_81 = arith.constant 2 : i32
      %add3A_82 = arith.addi %add3A_72, %add3A_81 : i32
      %lt3A_83 = arith.constant 20 : i32
      %lt3A_84 = arith.cmpi slt, %add3A_82, %lt3A_83 : i32
      %convert_element_type3A_85 = arith.extui %lt3A_84 : i1 to i32
      %cond3A_86 = arith.constant 0 : i32
      %cond3A_87 = arith.cmpi ne, %convert_element_type3A_85, %cond3A_86 : i32
      scf.if %cond3A_87 {
        %mul3A_88 = arith.constant 32768 : i32
        %mul3A_89 = arith.muli %add3A_82, %mul3A_88 : i32
        %add3A_90 = arith.addi %mul3A_2, %mul3A_89 : i32
        %dma_start3A_91 = tpu.memref_slice %arg2[%add3A_90] : memref<33554432xf32, #tpu.memory_space<hbm>> -> memref<32768xf32, #tpu.memory_space<hbm>>
        %dma_start3A_92 = tpu.memref_slice %arg2[%add3A_90] : memref<33554432xf32, #tpu.memory_space<hbm>> -> memref<32768xf32, #tpu.memory_space<hbm>>
        tpu.enqueue_dma source(%dma_start3A_92 : memref<32768xf32, #tpu.memory_space<hbm>>) target(%arg5 : memref<32768xf32, #tpu.memory_space<vmem>>) target_semaphore(%arg8 : memref<!tpu.dma_semaphore, #tpu.memory_space<semaphore_mem>>)
      } else {
      }
    }
    %scan3A_49 = arith.constant 10 : i32
    %mul3A_50 = arith.constant 16 : i32
    %mul3A_51 = arith.muli %add3A, %mul3A_50 : i32
    %mul3A_52 = arith.constant 16 : i32
    %mul3A_53 = arith.muli %mul3A_51, %mul3A_52 : i32
    "tpu.region"() ({
      %run_scoped3A = tpu.sem_alloc : memref<!tpu.dma_semaphore, #tpu.memory_space<semaphore_mem>>
      %dma_start3A_54 = tpu.memref_slice %arg3[%mul3A_53] : memref<8192xf32, #tpu.memory_space<hbm>> -> memref<256xf32, #tpu.memory_space<hbm>>
      %dma_start3A_55 = tpu.memref_slice %arg3[%mul3A_53] : memref<8192xf32, #tpu.memory_space<hbm>> -> memref<256xf32, #tpu.memory_space<hbm>>
      tpu.enqueue_dma source(%arg6 : memref<256xf32, #tpu.memory_space<vmem>>) target(%dma_start3A_55 : memref<256xf32, #tpu.memory_space<hbm>>) target_semaphore(%run_scoped3A : memref<!tpu.dma_semaphore, #tpu.memory_space<semaphore_mem>>)
      %dma_wait3A = tpu.memref_slice %arg3[%mul3A_53] : memref<8192xf32, #tpu.memory_space<hbm>> -> memref<256xf32, #tpu.memory_space<hbm>>
      %dma_wait3A_56 = tpu.memref_slice %arg3[%mul3A_53] : memref<8192xf32, #tpu.memory_space<hbm>> -> memref<256xf32, #tpu.memory_space<hbm>>
      tpu.wait_dma2 semaphore(%run_scoped3A : memref<!tpu.dma_semaphore, #tpu.memory_space<semaphore_mem>>) src(%arg6 : memref<256xf32, #tpu.memory_space<vmem>>) dst(%dma_wait3A_56 : memref<256xf32, #tpu.memory_space<hbm>>)
      tpu.yield
    }) : () -> ()
    return
  }
}

module attributes {stable_mosaic.version = 14 : i64} {
  func.func @_tc_body(%arg0: i32, %arg1: memref<1048576xf32, #tpu.memory_space<vmem>>, %arg2: memref<9x1024xf32, #tpu.memory_space<vmem>>) attributes {dimension_semantics = [#tpu.dimension_semantics<arbitrary>], iteration_bounds = array<i64: 12>, scalar_prefetch = 0 : i64, scratch_operands = 0 : i64, tpu.core_type = #tpu.core_type<tc>, window_params = [{transform_indices = @transform_0, window_bounds = array<i64: 1048576>}, {pipeline_mode = #tpu.pipeline_mode<synchronous>, transform_indices = @transform_1, window_bounds = array<i64: 9, 1024>}]} {
    %eq3A = arith.constant 0 : i32
    %eq3A_0 = arith.cmpi eq, %arg0, %eq3A : i32
    %convert_element_type3A = arith.extui %eq3A_0 : i1 to i32
    %cond3A = arith.constant 0 : i32
    %cond3A_1 = arith.cmpi ne, %convert_element_type3A, %cond3A : i32
    scf.if %cond3A_1 {
      %broadcast_in_dim3A_37 = arith.constant 0.000000e+00 : f32
      %broadcast_in_dim3A_38 = vector.broadcast %broadcast_in_dim3A_37 : f32 to vector<9x1024xf32>
      %swap3A_39 = arith.constant 0 : index
      %swap3A_40 = arith.constant 0 : index
      %swap3A_41 = vector.load %arg2[%swap3A_39, %swap3A_40] : memref<9x1024xf32, #tpu.memory_space<vmem>>, vector<9x1024xf32>
      tpu.vector_store %arg2[%swap3A_39, %swap3A_40], %broadcast_in_dim3A_38 {strides = array<i32>} : memref<9x1024xf32, #tpu.memory_space<vmem>>, vector<9x1024xf32>,
    } else {
    }
    %broadcast_in_dim3A = arith.constant 0.000000e+00 : f32
    %broadcast_in_dim3A_2 = vector.broadcast %broadcast_in_dim3A : f32 to vector<1024xf32>
    %broadcast_in_dim3A_3 = arith.constant 0.000000e+00 : f32
    %broadcast_in_dim3A_4 = vector.broadcast %broadcast_in_dim3A_3 : f32 to vector<1024xf32>
    %broadcast_in_dim3A_5 = arith.constant 0.000000e+00 : f32
    %broadcast_in_dim3A_6 = vector.broadcast %broadcast_in_dim3A_5 : f32 to vector<1024xf32>
    %broadcast_in_dim3A_7 = arith.constant 0.000000e+00 : f32
    %broadcast_in_dim3A_8 = vector.broadcast %broadcast_in_dim3A_7 : f32 to vector<1024xf32>
    %broadcast_in_dim3A_9 = arith.constant 0.000000e+00 : f32
    %broadcast_in_dim3A_10 = vector.broadcast %broadcast_in_dim3A_9 : f32 to vector<1024xf32>
    %broadcast_in_dim3A_11 = arith.constant 0.000000e+00 : f32
    %broadcast_in_dim3A_12 = vector.broadcast %broadcast_in_dim3A_11 : f32 to vector<1024xf32>
    %broadcast_in_dim3A_13 = arith.constant 0.000000e+00 : f32
    %broadcast_in_dim3A_14 = vector.broadcast %broadcast_in_dim3A_13 : f32 to vector<1024xf32>
    %broadcast_in_dim3A_15 = arith.constant 0.000000e+00 : f32
    %broadcast_in_dim3A_16 = vector.broadcast %broadcast_in_dim3A_15 : f32 to vector<1024xf32>
    %broadcast_in_dim3A_17 = arith.constant 0.000000e+00 : f32
    %broadcast_in_dim3A_18 = vector.broadcast %broadcast_in_dim3A_17 : f32 to vector<1024xf32>
    %scan3A = arith.constant 0 : i32
    %scan3A_19 = arith.constant 64 : i32
    %scan3A_20 = arith.addi %scan3A, %scan3A_19 : i32
    %scan3A_21 = arith.constant 1 : i32
    %scan3A_22:9 = scf.for %scan3A_37 = %scan3A to %scan3A_20 step %scan3A_21 iter_args(%scan3A_38 = %broadcast_in_dim3A_2, %scan3A_39 = %broadcast_in_dim3A_4, %scan3A_40 = %broadcast_in_dim3A_6, %scan3A_41 = %broadcast_in_dim3A_8, %scan3A_42 = %broadcast_in_dim3A_10, %scan3A_43 = %broadcast_in_dim3A_12, %scan3A_44 = %broadcast_in_dim3A_14, %scan3A_45 = %broadcast_in_dim3A_16, %scan3A_46 = %broadcast_in_dim3A_18) -> (vector<1024xf32>, vector<1024xf32>, vector<1024xf32>, vector<1024xf32>, vector<1024xf32>, vector<1024xf32>, vector<1024xf32>, vector<1024xf32>, vector<1024xf32>)  : i32 {
      %mul3A = arith.constant 16 : i32
      %mul3A_47 = arith.muli %scan3A_37, %mul3A : i32
      %add3A_48 = arith.constant 0 : i32
      %add3A_49 = arith.addi %mul3A_47, %add3A_48 : i32
      %mul3A_50 = arith.constant 1024 : i32
      %mul3A_51 = arith.muli %add3A_49, %mul3A_50 : i32
      %get3A_52 = arith.index_cast %mul3A_51 : i32 to index
      %get3A_53 = vector.load %arg1[%get3A_52] : memref<1048576xf32, #tpu.memory_space<vmem>>, vector<1024xf32>
      %ge3A = arith.constant 1.000000e-01 : f32
      %ge3A_54 = vector.broadcast %ge3A : f32 to vector<1024xf32>
      %ge3A_55 = arith.cmpf oge, %get3A_53, %ge3A_54 : vector<1024xf32>
      %jit3A = arith.constant 1.000000e+00 : f32
      %jit3A_56 = arith.constant 0.000000e+00 : f32
      %broadcast_in_dim3A_57 = vector.broadcast %jit3A : f32 to vector<1024xf32>
      %broadcast_in_dim3A_58 = vector.broadcast %jit3A_56 : f32 to vector<1024xf32>
      %select_n3A = arith.select %ge3A_55, %broadcast_in_dim3A_57, %broadcast_in_dim3A_58 : vector<1024xi1>, vector<1024xf32>
      %add3A_59 = arith.addf %scan3A_38, %select_n3A : vector<1024xf32>
      %ge3A_60 = arith.constant 2.000000e-01 : f32
      %ge3A_61 = vector.broadcast %ge3A_60 : f32 to vector<1024xf32>
      %ge3A_62 = arith.cmpf oge, %get3A_53, %ge3A_61 : vector<1024xf32>
      %jit3A_63 = arith.constant 1.000000e+00 : f32
      %jit3A_64 = arith.constant 0.000000e+00 : f32
      %broadcast_in_dim3A_65 = vector.broadcast %jit3A_63 : f32 to vector<1024xf32>
      %broadcast_in_dim3A_66 = vector.broadcast %jit3A_64 : f32 to vector<1024xf32>
      %select_n3A_67 = arith.select %ge3A_62, %broadcast_in_dim3A_65, %broadcast_in_dim3A_66 : vector<1024xi1>, vector<1024xf32>
      %add3A_68 = arith.addf %scan3A_39, %select_n3A_67 : vector<1024xf32>
      %ge3A_69 = arith.constant 3.000000e-01 : f32
      %ge3A_70 = vector.broadcast %ge3A_69 : f32 to vector<1024xf32>
      %ge3A_71 = arith.cmpf oge, %get3A_53, %ge3A_70 : vector<1024xf32>
      %jit3A_72 = arith.constant 1.000000e+00 : f32
      %jit3A_73 = arith.constant 0.000000e+00 : f32
      %broadcast_in_dim3A_74 = vector.broadcast %jit3A_72 : f32 to vector<1024xf32>
      %broadcast_in_dim3A_75 = vector.broadcast %jit3A_73 : f32 to vector<1024xf32>
      %select_n3A_76 = arith.select %ge3A_71, %broadcast_in_dim3A_74, %broadcast_in_dim3A_75 : vector<1024xi1>, vector<1024xf32>
      %add3A_77 = arith.addf %scan3A_40, %select_n3A_76 : vector<1024xf32>
      %ge3A_78 = arith.constant 4.000000e-01 : f32
      %ge3A_79 = vector.broadcast %ge3A_78 : f32 to vector<1024xf32>
      %ge3A_80 = arith.cmpf oge, %get3A_53, %ge3A_79 : vector<1024xf32>
      %jit3A_81 = arith.constant 1.000000e+00 : f32
      %jit3A_82 = arith.constant 0.000000e+00 : f32
      %broadcast_in_dim3A_83 = vector.broadcast %jit3A_81 : f32 to vector<1024xf32>
      %broadcast_in_dim3A_84 = vector.broadcast %jit3A_82 : f32 to vector<1024xf32>
      %select_n3A_85 = arith.select %ge3A_80, %broadcast_in_dim3A_83, %broadcast_in_dim3A_84 : vector<1024xi1>, vector<1024xf32>
      %add3A_86 = arith.addf %scan3A_41, %select_n3A_85 : vector<1024xf32>
      %ge3A_87 = arith.constant 5.000000e-01 : f32
      %ge3A_88 = vector.broadcast %ge3A_87 : f32 to vector<1024xf32>
      %ge3A_89 = arith.cmpf oge, %get3A_53, %ge3A_88 : vector<1024xf32>
      %jit3A_90 = arith.constant 1.000000e+00 : f32
      %jit3A_91 = arith.constant 0.000000e+00 : f32
      %broadcast_in_dim3A_92 = vector.broadcast %jit3A_90 : f32 to vector<1024xf32>
      %broadcast_in_dim3A_93 = vector.broadcast %jit3A_91 : f32 to vector<1024xf32>
      %select_n3A_94 = arith.select %ge3A_89, %broadcast_in_dim3A_92, %broadcast_in_dim3A_93 : vector<1024xi1>, vector<1024xf32>
      %add3A_95 = arith.addf %scan3A_42, %select_n3A_94 : vector<1024xf32>
      %ge3A_96 = arith.constant 6.000000e-01 : f32
      %ge3A_97 = vector.broadcast %ge3A_96 : f32 to vector<1024xf32>
      %ge3A_98 = arith.cmpf oge, %get3A_53, %ge3A_97 : vector<1024xf32>
      %jit3A_99 = arith.constant 1.000000e+00 : f32
      %jit3A_100 = arith.constant 0.000000e+00 : f32
      %broadcast_in_dim3A_101 = vector.broadcast %jit3A_99 : f32 to vector<1024xf32>
      %broadcast_in_dim3A_102 = vector.broadcast %jit3A_100 : f32 to vector<1024xf32>
      %select_n3A_103 = arith.select %ge3A_98, %broadcast_in_dim3A_101, %broadcast_in_dim3A_102 : vector<1024xi1>, vector<1024xf32>
      %add3A_104 = arith.addf %scan3A_43, %select_n3A_103 : vector<1024xf32>
      %ge3A_105 = arith.constant 0.699999988 : f32
      %ge3A_106 = vector.broadcast %ge3A_105 : f32 to vector<1024xf32>
      %ge3A_107 = arith.cmpf oge, %get3A_53, %ge3A_106 : vector<1024xf32>
      %jit3A_108 = arith.constant 1.000000e+00 : f32
      %jit3A_109 = arith.constant 0.000000e+00 : f32
      %broadcast_in_dim3A_110 = vector.broadcast %jit3A_108 : f32 to vector<1024xf32>
      %broadcast_in_dim3A_111 = vector.broadcast %jit3A_109 : f32 to vector<1024xf32>
      %select_n3A_112 = arith.select %ge3A_107, %broadcast_in_dim3A_110, %broadcast_in_dim3A_111 : vector<1024xi1>, vector<1024xf32>
      %add3A_113 = arith.addf %scan3A_44, %select_n3A_112 : vector<1024xf32>
      %ge3A_114 = arith.constant 8.000000e-01 : f32
      %ge3A_115 = vector.broadcast %ge3A_114 : f32 to vector<1024xf32>
      %ge3A_116 = arith.cmpf oge, %get3A_53, %ge3A_115 : vector<1024xf32>
      %jit3A_117 = arith.constant 1.000000e+00 : f32
      %jit3A_118 = arith.constant 0.000000e+00 : f32
      %broadcast_in_dim3A_119 = vector.broadcast %jit3A_117 : f32 to vector<1024xf32>
      %broadcast_in_dim3A_120 = vector.broadcast %jit3A_118 : f32 to vector<1024xf32>
      %select_n3A_121 = arith.select %ge3A_116, %broadcast_in_dim3A_119, %broadcast_in_dim3A_120 : vector<1024xi1>, vector<1024xf32>
      %add3A_122 = arith.addf %scan3A_45, %select_n3A_121 : vector<1024xf32>
      %ge3A_123 = arith.constant 0.899999976 : f32
      %ge3A_124 = vector.broadcast %ge3A_123 : f32 to vector<1024xf32>
      %ge3A_125 = arith.cmpf oge, %get3A_53, %ge3A_124 : vector<1024xf32>
      %jit3A_126 = arith.constant 1.000000e+00 : f32
      %jit3A_127 = arith.constant 0.000000e+00 : f32
      %broadcast_in_dim3A_128 = vector.broadcast %jit3A_126 : f32 to vector<1024xf32>
      %broadcast_in_dim3A_129 = vector.broadcast %jit3A_127 : f32 to vector<1024xf32>
      %select_n3A_130 = arith.select %ge3A_125, %broadcast_in_dim3A_128, %broadcast_in_dim3A_129 : vector<1024xi1>, vector<1024xf32>
      %add3A_131 = arith.addf %scan3A_46, %select_n3A_130 : vector<1024xf32>
      %mul3A_132 = arith.constant 16 : i32
      %mul3A_133 = arith.muli %scan3A_37, %mul3A_132 : i32
      %add3A_134 = arith.constant 1 : i32
      %add3A_135 = arith.addi %mul3A_133, %add3A_134 : i32
      %mul3A_136 = arith.constant 1024 : i32
      %mul3A_137 = arith.muli %add3A_135, %mul3A_136 : i32
      %get3A_138 = arith.index_cast %mul3A_137 : i32 to index
      %get3A_139 = vector.load %arg1[%get3A_138] : memref<1048576xf32, #tpu.memory_space<vmem>>, vector<1024xf32>
      %ge3A_140 = arith.constant 1.000000e-01 : f32
      %ge3A_141 = vector.broadcast %ge3A_140 : f32 to vector<1024xf32>
      %ge3A_142 = arith.cmpf oge, %get3A_139, %ge3A_141 : vector<1024xf32>
      %jit3A_143 = arith.constant 1.000000e+00 : f32
      %jit3A_144 = arith.constant 0.000000e+00 : f32
      %broadcast_in_dim3A_145 = vector.broadcast %jit3A_143 : f32 to vector<1024xf32>
      %broadcast_in_dim3A_146 = vector.broadcast %jit3A_144 : f32 to vector<1024xf32>
      %select_n3A_147 = arith.select %ge3A_142, %broadcast_in_dim3A_145, %broadcast_in_dim3A_146 : vector<1024xi1>, vector<1024xf32>
      %add3A_148 = arith.addf %add3A_59, %select_n3A_147 : vector<1024xf32>
      %ge3A_149 = arith.constant 2.000000e-01 : f32
      %ge3A_150 = vector.broadcast %ge3A_149 : f32 to vector<1024xf32>
      %ge3A_151 = arith.cmpf oge, %get3A_139, %ge3A_150 : vector<1024xf32>
      %jit3A_152 = arith.constant 1.000000e+00 : f32
      %jit3A_153 = arith.constant 0.000000e+00 : f32
      %broadcast_in_dim3A_154 = vector.broadcast %jit3A_152 : f32 to vector<1024xf32>
      %broadcast_in_dim3A_155 = vector.broadcast %jit3A_153 : f32 to vector<1024xf32>
      %select_n3A_156 = arith.select %ge3A_151, %broadcast_in_dim3A_154, %broadcast_in_dim3A_155 : vector<1024xi1>, vector<1024xf32>
      %add3A_157 = arith.addf %add3A_68, %select_n3A_156 : vector<1024xf32>
      %ge3A_158 = arith.constant 3.000000e-01 : f32
      %ge3A_159 = vector.broadcast %ge3A_158 : f32 to vector<1024xf32>
      %ge3A_160 = arith.cmpf oge, %get3A_139, %ge3A_159 : vector<1024xf32>
      %jit3A_161 = arith.constant 1.000000e+00 : f32
      %jit3A_162 = arith.constant 0.000000e+00 : f32
      %broadcast_in_dim3A_163 = vector.broadcast %jit3A_161 : f32 to vector<1024xf32>
      %broadcast_in_dim3A_164 = vector.broadcast %jit3A_162 : f32 to vector<1024xf32>
      %select_n3A_165 = arith.select %ge3A_160, %broadcast_in_dim3A_163, %broadcast_in_dim3A_164 : vector<1024xi1>, vector<1024xf32>
      %add3A_166 = arith.addf %add3A_77, %select_n3A_165 : vector<1024xf32>
      %ge3A_167 = arith.constant 4.000000e-01 : f32
      %ge3A_168 = vector.broadcast %ge3A_167 : f32 to vector<1024xf32>
      %ge3A_169 = arith.cmpf oge, %get3A_139, %ge3A_168 : vector<1024xf32>
      %jit3A_170 = arith.constant 1.000000e+00 : f32
      %jit3A_171 = arith.constant 0.000000e+00 : f32
      %broadcast_in_dim3A_172 = vector.broadcast %jit3A_170 : f32 to vector<1024xf32>
      %broadcast_in_dim3A_173 = vector.broadcast %jit3A_171 : f32 to vector<1024xf32>
      %select_n3A_174 = arith.select %ge3A_169, %broadcast_in_dim3A_172, %broadcast_in_dim3A_173 : vector<1024xi1>, vector<1024xf32>
      %add3A_175 = arith.addf %add3A_86, %select_n3A_174 : vector<1024xf32>
      %ge3A_176 = arith.constant 5.000000e-01 : f32
      %ge3A_177 = vector.broadcast %ge3A_176 : f32 to vector<1024xf32>
      %ge3A_178 = arith.cmpf oge, %get3A_139, %ge3A_177 : vector<1024xf32>
      %jit3A_179 = arith.constant 1.000000e+00 : f32
      %jit3A_180 = arith.constant 0.000000e+00 : f32
      %broadcast_in_dim3A_181 = vector.broadcast %jit3A_179 : f32 to vector<1024xf32>
      %broadcast_in_dim3A_182 = vector.broadcast %jit3A_180 : f32 to vector<1024xf32>
      %select_n3A_183 = arith.select %ge3A_178, %broadcast_in_dim3A_181, %broadcast_in_dim3A_182 : vector<1024xi1>, vector<1024xf32>
      %add3A_184 = arith.addf %add3A_95, %select_n3A_183 : vector<1024xf32>
      %ge3A_185 = arith.constant 6.000000e-01 : f32
      %ge3A_186 = vector.broadcast %ge3A_185 : f32 to vector<1024xf32>
      %ge3A_187 = arith.cmpf oge, %get3A_139, %ge3A_186 : vector<1024xf32>
      %jit3A_188 = arith.constant 1.000000e+00 : f32
      %jit3A_189 = arith.constant 0.000000e+00 : f32
      %broadcast_in_dim3A_190 = vector.broadcast %jit3A_188 : f32 to vector<1024xf32>
      %broadcast_in_dim3A_191 = vector.broadcast %jit3A_189 : f32 to vector<1024xf32>
      %select_n3A_192 = arith.select %ge3A_187, %broadcast_in_dim3A_190, %broadcast_in_dim3A_191 : vector<1024xi1>, vector<1024xf32>
      %add3A_193 = arith.addf %add3A_104, %select_n3A_192 : vector<1024xf32>
      %ge3A_194 = arith.constant 0.699999988 : f32
      %ge3A_195 = vector.broadcast %ge3A_194 : f32 to vector<1024xf32>
      %ge3A_196 = arith.cmpf oge, %get3A_139, %ge3A_195 : vector<1024xf32>
      %jit3A_197 = arith.constant 1.000000e+00 : f32
      %jit3A_198 = arith.constant 0.000000e+00 : f32
      %broadcast_in_dim3A_199 = vector.broadcast %jit3A_197 : f32 to vector<1024xf32>
      %broadcast_in_dim3A_200 = vector.broadcast %jit3A_198 : f32 to vector<1024xf32>
      %select_n3A_201 = arith.select %ge3A_196, %broadcast_in_dim3A_199, %broadcast_in_dim3A_200 : vector<1024xi1>, vector<1024xf32>
      %add3A_202 = arith.addf %add3A_113, %select_n3A_201 : vector<1024xf32>
      %ge3A_203 = arith.constant 8.000000e-01 : f32
      %ge3A_204 = vector.broadcast %ge3A_203 : f32 to vector<1024xf32>
      %ge3A_205 = arith.cmpf oge, %get3A_139, %ge3A_204 : vector<1024xf32>
      %jit3A_206 = arith.constant 1.000000e+00 : f32
      %jit3A_207 = arith.constant 0.000000e+00 : f32
      %broadcast_in_dim3A_208 = vector.broadcast %jit3A_206 : f32 to vector<1024xf32>
      %broadcast_in_dim3A_209 = vector.broadcast %jit3A_207 : f32 to vector<1024xf32>
      %select_n3A_210 = arith.select %ge3A_205, %broadcast_in_dim3A_208, %broadcast_in_dim3A_209 : vector<1024xi1>, vector<1024xf32>
      %add3A_211 = arith.addf %add3A_122, %select_n3A_210 : vector<1024xf32>
      %ge3A_212 = arith.constant 0.899999976 : f32
      %ge3A_213 = vector.broadcast %ge3A_212 : f32 to vector<1024xf32>
      %ge3A_214 = arith.cmpf oge, %get3A_139, %ge3A_213 : vector<1024xf32>
      %jit3A_215 = arith.constant 1.000000e+00 : f32
      %jit3A_216 = arith.constant 0.000000e+00 : f32
      %broadcast_in_dim3A_217 = vector.broadcast %jit3A_215 : f32 to vector<1024xf32>
      %broadcast_in_dim3A_218 = vector.broadcast %jit3A_216 : f32 to vector<1024xf32>
      %select_n3A_219 = arith.select %ge3A_214, %broadcast_in_dim3A_217, %broadcast_in_dim3A_218 : vector<1024xi1>, vector<1024xf32>
      %add3A_220 = arith.addf %add3A_131, %select_n3A_219 : vector<1024xf32>
      %mul3A_221 = arith.constant 16 : i32
      %mul3A_222 = arith.muli %scan3A_37, %mul3A_221 : i32
      %add3A_223 = arith.constant 2 : i32
      %add3A_224 = arith.addi %mul3A_222, %add3A_223 : i32
      %mul3A_225 = arith.constant 1024 : i32
      %mul3A_226 = arith.muli %add3A_224, %mul3A_225 : i32
      %get3A_227 = arith.index_cast %mul3A_226 : i32 to index
      %get3A_228 = vector.load %arg1[%get3A_227] : memref<1048576xf32, #tpu.memory_space<vmem>>, vector<1024xf32>
      %ge3A_229 = arith.constant 1.000000e-01 : f32
      %ge3A_230 = vector.broadcast %ge3A_229 : f32 to vector<1024xf32>
      %ge3A_231 = arith.cmpf oge, %get3A_228, %ge3A_230 : vector<1024xf32>
      %jit3A_232 = arith.constant 1.000000e+00 : f32
      %jit3A_233 = arith.constant 0.000000e+00 : f32
      %broadcast_in_dim3A_234 = vector.broadcast %jit3A_232 : f32 to vector<1024xf32>
      %broadcast_in_dim3A_235 = vector.broadcast %jit3A_233 : f32 to vector<1024xf32>
      %select_n3A_236 = arith.select %ge3A_231, %broadcast_in_dim3A_234, %broadcast_in_dim3A_235 : vector<1024xi1>, vector<1024xf32>
      %add3A_237 = arith.addf %add3A_148, %select_n3A_236 : vector<1024xf32>
      %ge3A_238 = arith.constant 2.000000e-01 : f32
      %ge3A_239 = vector.broadcast %ge3A_238 : f32 to vector<1024xf32>
      %ge3A_240 = arith.cmpf oge, %get3A_228, %ge3A_239 : vector<1024xf32>
      %jit3A_241 = arith.constant 1.000000e+00 : f32
      %jit3A_242 = arith.constant 0.000000e+00 : f32
      %broadcast_in_dim3A_243 = vector.broadcast %jit3A_241 : f32 to vector<1024xf32>
      %broadcast_in_dim3A_244 = vector.broadcast %jit3A_242 : f32 to vector<1024xf32>
      %select_n3A_245 = arith.select %ge3A_240, %broadcast_in_dim3A_243, %broadcast_in_dim3A_244 : vector<1024xi1>, vector<1024xf32>
      %add3A_246 = arith.addf %add3A_157, %select_n3A_245 : vector<1024xf32>
      %ge3A_247 = arith.constant 3.000000e-01 : f32
      %ge3A_248 = vector.broadcast %ge3A_247 : f32 to vector<1024xf32>
      %ge3A_249 = arith.cmpf oge, %get3A_228, %ge3A_248 : vector<1024xf32>
      %jit3A_250 = arith.constant 1.000000e+00 : f32
      %jit3A_251 = arith.constant 0.000000e+00 : f32
      %broadcast_in_dim3A_252 = vector.broadcast %jit3A_250 : f32 to vector<1024xf32>
      %broadcast_in_dim3A_253 = vector.broadcast %jit3A_251 : f32 to vector<1024xf32>
      %select_n3A_254 = arith.select %ge3A_249, %broadcast_in_dim3A_252, %broadcast_in_dim3A_253 : vector<1024xi1>, vector<1024xf32>
      %add3A_255 = arith.addf %add3A_166, %select_n3A_254 : vector<1024xf32>
      %ge3A_256 = arith.constant 4.000000e-01 : f32
      %ge3A_257 = vector.broadcast %ge3A_256 : f32 to vector<1024xf32>
      %ge3A_258 = arith.cmpf oge, %get3A_228, %ge3A_257 : vector<1024xf32>
      %jit3A_259 = arith.constant 1.000000e+00 : f32
      %jit3A_260 = arith.constant 0.000000e+00 : f32
      %broadcast_in_dim3A_261 = vector.broadcast %jit3A_259 : f32 to vector<1024xf32>
      %broadcast_in_dim3A_262 = vector.broadcast %jit3A_260 : f32 to vector<1024xf32>
      %select_n3A_263 = arith.select %ge3A_258, %broadcast_in_dim3A_261, %broadcast_in_dim3A_262 : vector<1024xi1>, vector<1024xf32>
      %add3A_264 = arith.addf %add3A_175, %select_n3A_263 : vector<1024xf32>
      %ge3A_265 = arith.constant 5.000000e-01 : f32
      %ge3A_266 = vector.broadcast %ge3A_265 : f32 to vector<1024xf32>
      %ge3A_267 = arith.cmpf oge, %get3A_228, %ge3A_266 : vector<1024xf32>
      %jit3A_268 = arith.constant 1.000000e+00 : f32
      %jit3A_269 = arith.constant 0.000000e+00 : f32
      %broadcast_in_dim3A_270 = vector.broadcast %jit3A_268 : f32 to vector<1024xf32>
      %broadcast_in_dim3A_271 = vector.broadcast %jit3A_269 : f32 to vector<1024xf32>
      %select_n3A_272 = arith.select %ge3A_267, %broadcast_in_dim3A_270, %broadcast_in_dim3A_271 : vector<1024xi1>, vector<1024xf32>
      %add3A_273 = arith.addf %add3A_184, %select_n3A_272 : vector<1024xf32>
      %ge3A_274 = arith.constant 6.000000e-01 : f32
      %ge3A_275 = vector.broadcast %ge3A_274 : f32 to vector<1024xf32>
      %ge3A_276 = arith.cmpf oge, %get3A_228, %ge3A_275 : vector<1024xf32>
      %jit3A_277 = arith.constant 1.000000e+00 : f32
      %jit3A_278 = arith.constant 0.000000e+00 : f32
      %broadcast_in_dim3A_279 = vector.broadcast %jit3A_277 : f32 to vector<1024xf32>
      %broadcast_in_dim3A_280 = vector.broadcast %jit3A_278 : f32 to vector<1024xf32>
      %select_n3A_281 = arith.select %ge3A_276, %broadcast_in_dim3A_279, %broadcast_in_dim3A_280 : vector<1024xi1>, vector<1024xf32>
      %add3A_282 = arith.addf %add3A_193, %select_n3A_281 : vector<1024xf32>
      %ge3A_283 = arith.constant 0.699999988 : f32
      %ge3A_284 = vector.broadcast %ge3A_283 : f32 to vector<1024xf32>
      %ge3A_285 = arith.cmpf oge, %get3A_228, %ge3A_284 : vector<1024xf32>
      %jit3A_286 = arith.constant 1.000000e+00 : f32
      %jit3A_287 = arith.constant 0.000000e+00 : f32
      %broadcast_in_dim3A_288 = vector.broadcast %jit3A_286 : f32 to vector<1024xf32>
      %broadcast_in_dim3A_289 = vector.broadcast %jit3A_287 : f32 to vector<1024xf32>
      %select_n3A_290 = arith.select %ge3A_285, %broadcast_in_dim3A_288, %broadcast_in_dim3A_289 : vector<1024xi1>, vector<1024xf32>
      %add3A_291 = arith.addf %add3A_202, %select_n3A_290 : vector<1024xf32>
      %ge3A_292 = arith.constant 8.000000e-01 : f32
      %ge3A_293 = vector.broadcast %ge3A_292 : f32 to vector<1024xf32>
      %ge3A_294 = arith.cmpf oge, %get3A_228, %ge3A_293 : vector<1024xf32>
      %jit3A_295 = arith.constant 1.000000e+00 : f32
      %jit3A_296 = arith.constant 0.000000e+00 : f32
      %broadcast_in_dim3A_297 = vector.broadcast %jit3A_295 : f32 to vector<1024xf32>
      %broadcast_in_dim3A_298 = vector.broadcast %jit3A_296 : f32 to vector<1024xf32>
      %select_n3A_299 = arith.select %ge3A_294, %broadcast_in_dim3A_297, %broadcast_in_dim3A_298 : vector<1024xi1>, vector<1024xf32>
      %add3A_300 = arith.addf %add3A_211, %select_n3A_299 : vector<1024xf32>
      %ge3A_301 = arith.constant 0.899999976 : f32
      %ge3A_302 = vector.broadcast %ge3A_301 : f32 to vector<1024xf32>
      %ge3A_303 = arith.cmpf oge, %get3A_228, %ge3A_302 : vector<1024xf32>
      %jit3A_304 = arith.constant 1.000000e+00 : f32
      %jit3A_305 = arith.constant 0.000000e+00 : f32
      %broadcast_in_dim3A_306 = vector.broadcast %jit3A_304 : f32 to vector<1024xf32>
      %broadcast_in_dim3A_307 = vector.broadcast %jit3A_305 : f32 to vector<1024xf32>
      %select_n3A_308 = arith.select %ge3A_303, %broadcast_in_dim3A_306, %broadcast_in_dim3A_307 : vector<1024xi1>, vector<1024xf32>
      %add3A_309 = arith.addf %add3A_220, %select_n3A_308 : vector<1024xf32>
      %mul3A_310 = arith.constant 16 : i32
      %mul3A_311 = arith.muli %scan3A_37, %mul3A_310 : i32
      %add3A_312 = arith.constant 3 : i32
      %add3A_313 = arith.addi %mul3A_311, %add3A_312 : i32
      %mul3A_314 = arith.constant 1024 : i32
      %mul3A_315 = arith.muli %add3A_313, %mul3A_314 : i32
      %get3A_316 = arith.index_cast %mul3A_315 : i32 to index
      %get3A_317 = vector.load %arg1[%get3A_316] : memref<1048576xf32, #tpu.memory_space<vmem>>, vector<1024xf32>
      %ge3A_318 = arith.constant 1.000000e-01 : f32
      %ge3A_319 = vector.broadcast %ge3A_318 : f32 to vector<1024xf32>
      %ge3A_320 = arith.cmpf oge, %get3A_317, %ge3A_319 : vector<1024xf32>
      %jit3A_321 = arith.constant 1.000000e+00 : f32
      %jit3A_322 = arith.constant 0.000000e+00 : f32
      %broadcast_in_dim3A_323 = vector.broadcast %jit3A_321 : f32 to vector<1024xf32>
      %broadcast_in_dim3A_324 = vector.broadcast %jit3A_322 : f32 to vector<1024xf32>
      %select_n3A_325 = arith.select %ge3A_320, %broadcast_in_dim3A_323, %broadcast_in_dim3A_324 : vector<1024xi1>, vector<1024xf32>
      %add3A_326 = arith.addf %add3A_237, %select_n3A_325 : vector<1024xf32>
      %ge3A_327 = arith.constant 2.000000e-01 : f32
      %ge3A_328 = vector.broadcast %ge3A_327 : f32 to vector<1024xf32>
      %ge3A_329 = arith.cmpf oge, %get3A_317, %ge3A_328 : vector<1024xf32>
      %jit3A_330 = arith.constant 1.000000e+00 : f32
      %jit3A_331 = arith.constant 0.000000e+00 : f32
      %broadcast_in_dim3A_332 = vector.broadcast %jit3A_330 : f32 to vector<1024xf32>
      %broadcast_in_dim3A_333 = vector.broadcast %jit3A_331 : f32 to vector<1024xf32>
      %select_n3A_334 = arith.select %ge3A_329, %broadcast_in_dim3A_332, %broadcast_in_dim3A_333 : vector<1024xi1>, vector<1024xf32>
      %add3A_335 = arith.addf %add3A_246, %select_n3A_334 : vector<1024xf32>
      %ge3A_336 = arith.constant 3.000000e-01 : f32
      %ge3A_337 = vector.broadcast %ge3A_336 : f32 to vector<1024xf32>
      %ge3A_338 = arith.cmpf oge, %get3A_317, %ge3A_337 : vector<1024xf32>
      %jit3A_339 = arith.constant 1.000000e+00 : f32
      %jit3A_340 = arith.constant 0.000000e+00 : f32
      %broadcast_in_dim3A_341 = vector.broadcast %jit3A_339 : f32 to vector<1024xf32>
      %broadcast_in_dim3A_342 = vector.broadcast %jit3A_340 : f32 to vector<1024xf32>
      %select_n3A_343 = arith.select %ge3A_338, %broadcast_in_dim3A_341, %broadcast_in_dim3A_342 : vector<1024xi1>, vector<1024xf32>
      %add3A_344 = arith.addf %add3A_255, %select_n3A_343 : vector<1024xf32>
      %ge3A_345 = arith.constant 4.000000e-01 : f32
      %ge3A_346 = vector.broadcast %ge3A_345 : f32 to vector<1024xf32>
      %ge3A_347 = arith.cmpf oge, %get3A_317, %ge3A_346 : vector<1024xf32>
      %jit3A_348 = arith.constant 1.000000e+00 : f32
      %jit3A_349 = arith.constant 0.000000e+00 : f32
      %broadcast_in_dim3A_350 = vector.broadcast %jit3A_348 : f32 to vector<1024xf32>
      %broadcast_in_dim3A_351 = vector.broadcast %jit3A_349 : f32 to vector<1024xf32>
      %select_n3A_352 = arith.select %ge3A_347, %broadcast_in_dim3A_350, %broadcast_in_dim3A_351 : vector<1024xi1>, vector<1024xf32>
      %add3A_353 = arith.addf %add3A_264, %select_n3A_352 : vector<1024xf32>
      %ge3A_354 = arith.constant 5.000000e-01 : f32
      %ge3A_355 = vector.broadcast %ge3A_354 : f32 to vector<1024xf32>
      %ge3A_356 = arith.cmpf oge, %get3A_317, %ge3A_355 : vector<1024xf32>
      %jit3A_357 = arith.constant 1.000000e+00 : f32
      %jit3A_358 = arith.constant 0.000000e+00 : f32
      %broadcast_in_dim3A_359 = vector.broadcast %jit3A_357 : f32 to vector<1024xf32>
      %broadcast_in_dim3A_360 = vector.broadcast %jit3A_358 : f32 to vector<1024xf32>
      %select_n3A_361 = arith.select %ge3A_356, %broadcast_in_dim3A_359, %broadcast_in_dim3A_360 : vector<1024xi1>, vector<1024xf32>
      %add3A_362 = arith.addf %add3A_273, %select_n3A_361 : vector<1024xf32>
      %ge3A_363 = arith.constant 6.000000e-01 : f32
      %ge3A_364 = vector.broadcast %ge3A_363 : f32 to vector<1024xf32>
      %ge3A_365 = arith.cmpf oge, %get3A_317, %ge3A_364 : vector<1024xf32>
      %jit3A_366 = arith.constant 1.000000e+00 : f32
      %jit3A_367 = arith.constant 0.000000e+00 : f32
      %broadcast_in_dim3A_368 = vector.broadcast %jit3A_366 : f32 to vector<1024xf32>
      %broadcast_in_dim3A_369 = vector.broadcast %jit3A_367 : f32 to vector<1024xf32>
      %select_n3A_370 = arith.select %ge3A_365, %broadcast_in_dim3A_368, %broadcast_in_dim3A_369 : vector<1024xi1>, vector<1024xf32>
      %add3A_371 = arith.addf %add3A_282, %select_n3A_370 : vector<1024xf32>
      %ge3A_372 = arith.constant 0.699999988 : f32
      %ge3A_373 = vector.broadcast %ge3A_372 : f32 to vector<1024xf32>
      %ge3A_374 = arith.cmpf oge, %get3A_317, %ge3A_373 : vector<1024xf32>
      %jit3A_375 = arith.constant 1.000000e+00 : f32
      %jit3A_376 = arith.constant 0.000000e+00 : f32
      %broadcast_in_dim3A_377 = vector.broadcast %jit3A_375 : f32 to vector<1024xf32>
      %broadcast_in_dim3A_378 = vector.broadcast %jit3A_376 : f32 to vector<1024xf32>
      %select_n3A_379 = arith.select %ge3A_374, %broadcast_in_dim3A_377, %broadcast_in_dim3A_378 : vector<1024xi1>, vector<1024xf32>
      %add3A_380 = arith.addf %add3A_291, %select_n3A_379 : vector<1024xf32>
      %ge3A_381 = arith.constant 8.000000e-01 : f32
      %ge3A_382 = vector.broadcast %ge3A_381 : f32 to vector<1024xf32>
      %ge3A_383 = arith.cmpf oge, %get3A_317, %ge3A_382 : vector<1024xf32>
      %jit3A_384 = arith.constant 1.000000e+00 : f32
      %jit3A_385 = arith.constant 0.000000e+00 : f32
      %broadcast_in_dim3A_386 = vector.broadcast %jit3A_384 : f32 to vector<1024xf32>
      %broadcast_in_dim3A_387 = vector.broadcast %jit3A_385 : f32 to vector<1024xf32>
      %select_n3A_388 = arith.select %ge3A_383, %broadcast_in_dim3A_386, %broadcast_in_dim3A_387 : vector<1024xi1>, vector<1024xf32>
      %add3A_389 = arith.addf %add3A_300, %select_n3A_388 : vector<1024xf32>
      %ge3A_390 = arith.constant 0.899999976 : f32
      %ge3A_391 = vector.broadcast %ge3A_390 : f32 to vector<1024xf32>
      %ge3A_392 = arith.cmpf oge, %get3A_317, %ge3A_391 : vector<1024xf32>
      %jit3A_393 = arith.constant 1.000000e+00 : f32
      %jit3A_394 = arith.constant 0.000000e+00 : f32
      %broadcast_in_dim3A_395 = vector.broadcast %jit3A_393 : f32 to vector<1024xf32>
      %broadcast_in_dim3A_396 = vector.broadcast %jit3A_394 : f32 to vector<1024xf32>
      %select_n3A_397 = arith.select %ge3A_392, %broadcast_in_dim3A_395, %broadcast_in_dim3A_396 : vector<1024xi1>, vector<1024xf32>
      %add3A_398 = arith.addf %add3A_309, %select_n3A_397 : vector<1024xf32>
      %mul3A_399 = arith.constant 16 : i32
      %mul3A_400 = arith.muli %scan3A_37, %mul3A_399 : i32
      %add3A_401 = arith.constant 4 : i32
      %add3A_402 = arith.addi %mul3A_400, %add3A_401 : i32
      %mul3A_403 = arith.constant 1024 : i32
      %mul3A_404 = arith.muli %add3A_402, %mul3A_403 : i32
      %get3A_405 = arith.index_cast %mul3A_404 : i32 to index
      %get3A_406 = vector.load %arg1[%get3A_405] : memref<1048576xf32, #tpu.memory_space<vmem>>, vector<1024xf32>
      %ge3A_407 = arith.constant 1.000000e-01 : f32
      %ge3A_408 = vector.broadcast %ge3A_407 : f32 to vector<1024xf32>
      %ge3A_409 = arith.cmpf oge, %get3A_406, %ge3A_408 : vector<1024xf32>
      %jit3A_410 = arith.constant 1.000000e+00 : f32
      %jit3A_411 = arith.constant 0.000000e+00 : f32
      %broadcast_in_dim3A_412 = vector.broadcast %jit3A_410 : f32 to vector<1024xf32>
      %broadcast_in_dim3A_413 = vector.broadcast %jit3A_411 : f32 to vector<1024xf32>
      %select_n3A_414 = arith.select %ge3A_409, %broadcast_in_dim3A_412, %broadcast_in_dim3A_413 : vector<1024xi1>, vector<1024xf32>
      %add3A_415 = arith.addf %add3A_326, %select_n3A_414 : vector<1024xf32>
      %ge3A_416 = arith.constant 2.000000e-01 : f32
      %ge3A_417 = vector.broadcast %ge3A_416 : f32 to vector<1024xf32>
      %ge3A_418 = arith.cmpf oge, %get3A_406, %ge3A_417 : vector<1024xf32>
      %jit3A_419 = arith.constant 1.000000e+00 : f32
      %jit3A_420 = arith.constant 0.000000e+00 : f32
      %broadcast_in_dim3A_421 = vector.broadcast %jit3A_419 : f32 to vector<1024xf32>
      %broadcast_in_dim3A_422 = vector.broadcast %jit3A_420 : f32 to vector<1024xf32>
      %select_n3A_423 = arith.select %ge3A_418, %broadcast_in_dim3A_421, %broadcast_in_dim3A_422 : vector<1024xi1>, vector<1024xf32>
      %add3A_424 = arith.addf %add3A_335, %select_n3A_423 : vector<1024xf32>
      %ge3A_425 = arith.constant 3.000000e-01 : f32
      %ge3A_426 = vector.broadcast %ge3A_425 : f32 to vector<1024xf32>
      %ge3A_427 = arith.cmpf oge, %get3A_406, %ge3A_426 : vector<1024xf32>
      %jit3A_428 = arith.constant 1.000000e+00 : f32
      %jit3A_429 = arith.constant 0.000000e+00 : f32
      %broadcast_in_dim3A_430 = vector.broadcast %jit3A_428 : f32 to vector<1024xf32>
      %broadcast_in_dim3A_431 = vector.broadcast %jit3A_429 : f32 to vector<1024xf32>
      %select_n3A_432 = arith.select %ge3A_427, %broadcast_in_dim3A_430, %broadcast_in_dim3A_431 : vector<1024xi1>, vector<1024xf32>
      %add3A_433 = arith.addf %add3A_344, %select_n3A_432 : vector<1024xf32>
      %ge3A_434 = arith.constant 4.000000e-01 : f32
      %ge3A_435 = vector.broadcast %ge3A_434 : f32 to vector<1024xf32>
      %ge3A_436 = arith.cmpf oge, %get3A_406, %ge3A_435 : vector<1024xf32>
      %jit3A_437 = arith.constant 1.000000e+00 : f32
      %jit3A_438 = arith.constant 0.000000e+00 : f32
      %broadcast_in_dim3A_439 = vector.broadcast %jit3A_437 : f32 to vector<1024xf32>
      %broadcast_in_dim3A_440 = vector.broadcast %jit3A_438 : f32 to vector<1024xf32>
      %select_n3A_441 = arith.select %ge3A_436, %broadcast_in_dim3A_439, %broadcast_in_dim3A_440 : vector<1024xi1>, vector<1024xf32>
      %add3A_442 = arith.addf %add3A_353, %select_n3A_441 : vector<1024xf32>
      %ge3A_443 = arith.constant 5.000000e-01 : f32
      %ge3A_444 = vector.broadcast %ge3A_443 : f32 to vector<1024xf32>
      %ge3A_445 = arith.cmpf oge, %get3A_406, %ge3A_444 : vector<1024xf32>
      %jit3A_446 = arith.constant 1.000000e+00 : f32
      %jit3A_447 = arith.constant 0.000000e+00 : f32
      %broadcast_in_dim3A_448 = vector.broadcast %jit3A_446 : f32 to vector<1024xf32>
      %broadcast_in_dim3A_449 = vector.broadcast %jit3A_447 : f32 to vector<1024xf32>
      %select_n3A_450 = arith.select %ge3A_445, %broadcast_in_dim3A_448, %broadcast_in_dim3A_449 : vector<1024xi1>, vector<1024xf32>
      %add3A_451 = arith.addf %add3A_362, %select_n3A_450 : vector<1024xf32>
      %ge3A_452 = arith.constant 6.000000e-01 : f32
      %ge3A_453 = vector.broadcast %ge3A_452 : f32 to vector<1024xf32>
      %ge3A_454 = arith.cmpf oge, %get3A_406, %ge3A_453 : vector<1024xf32>
      %jit3A_455 = arith.constant 1.000000e+00 : f32
      %jit3A_456 = arith.constant 0.000000e+00 : f32
      %broadcast_in_dim3A_457 = vector.broadcast %jit3A_455 : f32 to vector<1024xf32>
      %broadcast_in_dim3A_458 = vector.broadcast %jit3A_456 : f32 to vector<1024xf32>
      %select_n3A_459 = arith.select %ge3A_454, %broadcast_in_dim3A_457, %broadcast_in_dim3A_458 : vector<1024xi1>, vector<1024xf32>
      %add3A_460 = arith.addf %add3A_371, %select_n3A_459 : vector<1024xf32>
      %ge3A_461 = arith.constant 0.699999988 : f32
      %ge3A_462 = vector.broadcast %ge3A_461 : f32 to vector<1024xf32>
      %ge3A_463 = arith.cmpf oge, %get3A_406, %ge3A_462 : vector<1024xf32>
      %jit3A_464 = arith.constant 1.000000e+00 : f32
      %jit3A_465 = arith.constant 0.000000e+00 : f32
      %broadcast_in_dim3A_466 = vector.broadcast %jit3A_464 : f32 to vector<1024xf32>
      %broadcast_in_dim3A_467 = vector.broadcast %jit3A_465 : f32 to vector<1024xf32>
      %select_n3A_468 = arith.select %ge3A_463, %broadcast_in_dim3A_466, %broadcast_in_dim3A_467 : vector<1024xi1>, vector<1024xf32>
      %add3A_469 = arith.addf %add3A_380, %select_n3A_468 : vector<1024xf32>
      %ge3A_470 = arith.constant 8.000000e-01 : f32
      %ge3A_471 = vector.broadcast %ge3A_470 : f32 to vector<1024xf32>
      %ge3A_472 = arith.cmpf oge, %get3A_406, %ge3A_471 : vector<1024xf32>
      %jit3A_473 = arith.constant 1.000000e+00 : f32
      %jit3A_474 = arith.constant 0.000000e+00 : f32
      %broadcast_in_dim3A_475 = vector.broadcast %jit3A_473 : f32 to vector<1024xf32>
      %broadcast_in_dim3A_476 = vector.broadcast %jit3A_474 : f32 to vector<1024xf32>
      %select_n3A_477 = arith.select %ge3A_472, %broadcast_in_dim3A_475, %broadcast_in_dim3A_476 : vector<1024xi1>, vector<1024xf32>
      %add3A_478 = arith.addf %add3A_389, %select_n3A_477 : vector<1024xf32>
      %ge3A_479 = arith.constant 0.899999976 : f32
      %ge3A_480 = vector.broadcast %ge3A_479 : f32 to vector<1024xf32>
      %ge3A_481 = arith.cmpf oge, %get3A_406, %ge3A_480 : vector<1024xf32>
      %jit3A_482 = arith.constant 1.000000e+00 : f32
      %jit3A_483 = arith.constant 0.000000e+00 : f32
      %broadcast_in_dim3A_484 = vector.broadcast %jit3A_482 : f32 to vector<1024xf32>
      %broadcast_in_dim3A_485 = vector.broadcast %jit3A_483 : f32 to vector<1024xf32>
      %select_n3A_486 = arith.select %ge3A_481, %broadcast_in_dim3A_484, %broadcast_in_dim3A_485 : vector<1024xi1>, vector<1024xf32>
      %add3A_487 = arith.addf %add3A_398, %select_n3A_486 : vector<1024xf32>
      %mul3A_488 = arith.constant 16 : i32
      %mul3A_489 = arith.muli %scan3A_37, %mul3A_488 : i32
      %add3A_490 = arith.constant 5 : i32
      %add3A_491 = arith.addi %mul3A_489, %add3A_490 : i32
      %mul3A_492 = arith.constant 1024 : i32
      %mul3A_493 = arith.muli %add3A_491, %mul3A_492 : i32
      %get3A_494 = arith.index_cast %mul3A_493 : i32 to index
      %get3A_495 = vector.load %arg1[%get3A_494] : memref<1048576xf32, #tpu.memory_space<vmem>>, vector<1024xf32>
      %ge3A_496 = arith.constant 1.000000e-01 : f32
      %ge3A_497 = vector.broadcast %ge3A_496 : f32 to vector<1024xf32>
      %ge3A_498 = arith.cmpf oge, %get3A_495, %ge3A_497 : vector<1024xf32>
      %jit3A_499 = arith.constant 1.000000e+00 : f32
      %jit3A_500 = arith.constant 0.000000e+00 : f32
      %broadcast_in_dim3A_501 = vector.broadcast %jit3A_499 : f32 to vector<1024xf32>
      %broadcast_in_dim3A_502 = vector.broadcast %jit3A_500 : f32 to vector<1024xf32>
      %select_n3A_503 = arith.select %ge3A_498, %broadcast_in_dim3A_501, %broadcast_in_dim3A_502 : vector<1024xi1>, vector<1024xf32>
      %add3A_504 = arith.addf %add3A_415, %select_n3A_503 : vector<1024xf32>
      %ge3A_505 = arith.constant 2.000000e-01 : f32
      %ge3A_506 = vector.broadcast %ge3A_505 : f32 to vector<1024xf32>
      %ge3A_507 = arith.cmpf oge, %get3A_495, %ge3A_506 : vector<1024xf32>
      %jit3A_508 = arith.constant 1.000000e+00 : f32
      %jit3A_509 = arith.constant 0.000000e+00 : f32
      %broadcast_in_dim3A_510 = vector.broadcast %jit3A_508 : f32 to vector<1024xf32>
      %broadcast_in_dim3A_511 = vector.broadcast %jit3A_509 : f32 to vector<1024xf32>
      %select_n3A_512 = arith.select %ge3A_507, %broadcast_in_dim3A_510, %broadcast_in_dim3A_511 : vector<1024xi1>, vector<1024xf32>
      %add3A_513 = arith.addf %add3A_424, %select_n3A_512 : vector<1024xf32>
      %ge3A_514 = arith.constant 3.000000e-01 : f32
      %ge3A_515 = vector.broadcast %ge3A_514 : f32 to vector<1024xf32>
      %ge3A_516 = arith.cmpf oge, %get3A_495, %ge3A_515 : vector<1024xf32>
      %jit3A_517 = arith.constant 1.000000e+00 : f32
      %jit3A_518 = arith.constant 0.000000e+00 : f32
      %broadcast_in_dim3A_519 = vector.broadcast %jit3A_517 : f32 to vector<1024xf32>
      %broadcast_in_dim3A_520 = vector.broadcast %jit3A_518 : f32 to vector<1024xf32>
      %select_n3A_521 = arith.select %ge3A_516, %broadcast_in_dim3A_519, %broadcast_in_dim3A_520 : vector<1024xi1>, vector<1024xf32>
      %add3A_522 = arith.addf %add3A_433, %select_n3A_521 : vector<1024xf32>
      %ge3A_523 = arith.constant 4.000000e-01 : f32
      %ge3A_524 = vector.broadcast %ge3A_523 : f32 to vector<1024xf32>
      %ge3A_525 = arith.cmpf oge, %get3A_495, %ge3A_524 : vector<1024xf32>
      %jit3A_526 = arith.constant 1.000000e+00 : f32
      %jit3A_527 = arith.constant 0.000000e+00 : f32
      %broadcast_in_dim3A_528 = vector.broadcast %jit3A_526 : f32 to vector<1024xf32>
      %broadcast_in_dim3A_529 = vector.broadcast %jit3A_527 : f32 to vector<1024xf32>
      %select_n3A_530 = arith.select %ge3A_525, %broadcast_in_dim3A_528, %broadcast_in_dim3A_529 : vector<1024xi1>, vector<1024xf32>
      %add3A_531 = arith.addf %add3A_442, %select_n3A_530 : vector<1024xf32>
      %ge3A_532 = arith.constant 5.000000e-01 : f32
      %ge3A_533 = vector.broadcast %ge3A_532 : f32 to vector<1024xf32>
      %ge3A_534 = arith.cmpf oge, %get3A_495, %ge3A_533 : vector<1024xf32>
      %jit3A_535 = arith.constant 1.000000e+00 : f32
      %jit3A_536 = arith.constant 0.000000e+00 : f32
      %broadcast_in_dim3A_537 = vector.broadcast %jit3A_535 : f32 to vector<1024xf32>
      %broadcast_in_dim3A_538 = vector.broadcast %jit3A_536 : f32 to vector<1024xf32>
      %select_n3A_539 = arith.select %ge3A_534, %broadcast_in_dim3A_537, %broadcast_in_dim3A_538 : vector<1024xi1>, vector<1024xf32>
      %add3A_540 = arith.addf %add3A_451, %select_n3A_539 : vector<1024xf32>
      %ge3A_541 = arith.constant 6.000000e-01 : f32
      %ge3A_542 = vector.broadcast %ge3A_541 : f32 to vector<1024xf32>
      %ge3A_543 = arith.cmpf oge, %get3A_495, %ge3A_542 : vector<1024xf32>
      %jit3A_544 = arith.constant 1.000000e+00 : f32
      %jit3A_545 = arith.constant 0.000000e+00 : f32
      %broadcast_in_dim3A_546 = vector.broadcast %jit3A_544 : f32 to vector<1024xf32>
      %broadcast_in_dim3A_547 = vector.broadcast %jit3A_545 : f32 to vector<1024xf32>
      %select_n3A_548 = arith.select %ge3A_543, %broadcast_in_dim3A_546, %broadcast_in_dim3A_547 : vector<1024xi1>, vector<1024xf32>
      %add3A_549 = arith.addf %add3A_460, %select_n3A_548 : vector<1024xf32>
      %ge3A_550 = arith.constant 0.699999988 : f32
      %ge3A_551 = vector.broadcast %ge3A_550 : f32 to vector<1024xf32>
      %ge3A_552 = arith.cmpf oge, %get3A_495, %ge3A_551 : vector<1024xf32>
      %jit3A_553 = arith.constant 1.000000e+00 : f32
      %jit3A_554 = arith.constant 0.000000e+00 : f32
      %broadcast_in_dim3A_555 = vector.broadcast %jit3A_553 : f32 to vector<1024xf32>
      %broadcast_in_dim3A_556 = vector.broadcast %jit3A_554 : f32 to vector<1024xf32>
      %select_n3A_557 = arith.select %ge3A_552, %broadcast_in_dim3A_555, %broadcast_in_dim3A_556 : vector<1024xi1>, vector<1024xf32>
      %add3A_558 = arith.addf %add3A_469, %select_n3A_557 : vector<1024xf32>
      %ge3A_559 = arith.constant 8.000000e-01 : f32
      %ge3A_560 = vector.broadcast %ge3A_559 : f32 to vector<1024xf32>
      %ge3A_561 = arith.cmpf oge, %get3A_495, %ge3A_560 : vector<1024xf32>
      %jit3A_562 = arith.constant 1.000000e+00 : f32
      %jit3A_563 = arith.constant 0.000000e+00 : f32
      %broadcast_in_dim3A_564 = vector.broadcast %jit3A_562 : f32 to vector<1024xf32>
      %broadcast_in_dim3A_565 = vector.broadcast %jit3A_563 : f32 to vector<1024xf32>
      %select_n3A_566 = arith.select %ge3A_561, %broadcast_in_dim3A_564, %broadcast_in_dim3A_565 : vector<1024xi1>, vector<1024xf32>
      %add3A_567 = arith.addf %add3A_478, %select_n3A_566 : vector<1024xf32>
      %ge3A_568 = arith.constant 0.899999976 : f32
      %ge3A_569 = vector.broadcast %ge3A_568 : f32 to vector<1024xf32>
      %ge3A_570 = arith.cmpf oge, %get3A_495, %ge3A_569 : vector<1024xf32>
      %jit3A_571 = arith.constant 1.000000e+00 : f32
      %jit3A_572 = arith.constant 0.000000e+00 : f32
      %broadcast_in_dim3A_573 = vector.broadcast %jit3A_571 : f32 to vector<1024xf32>
      %broadcast_in_dim3A_574 = vector.broadcast %jit3A_572 : f32 to vector<1024xf32>
      %select_n3A_575 = arith.select %ge3A_570, %broadcast_in_dim3A_573, %broadcast_in_dim3A_574 : vector<1024xi1>, vector<1024xf32>
      %add3A_576 = arith.addf %add3A_487, %select_n3A_575 : vector<1024xf32>
      %mul3A_577 = arith.constant 16 : i32
      %mul3A_578 = arith.muli %scan3A_37, %mul3A_577 : i32
      %add3A_579 = arith.constant 6 : i32
      %add3A_580 = arith.addi %mul3A_578, %add3A_579 : i32
      %mul3A_581 = arith.constant 1024 : i32
      %mul3A_582 = arith.muli %add3A_580, %mul3A_581 : i32
      %get3A_583 = arith.index_cast %mul3A_582 : i32 to index
      %get3A_584 = vector.load %arg1[%get3A_583] : memref<1048576xf32, #tpu.memory_space<vmem>>, vector<1024xf32>
      %ge3A_585 = arith.constant 1.000000e-01 : f32
      %ge3A_586 = vector.broadcast %ge3A_585 : f32 to vector<1024xf32>
      %ge3A_587 = arith.cmpf oge, %get3A_584, %ge3A_586 : vector<1024xf32>
      %jit3A_588 = arith.constant 1.000000e+00 : f32
      %jit3A_589 = arith.constant 0.000000e+00 : f32
      %broadcast_in_dim3A_590 = vector.broadcast %jit3A_588 : f32 to vector<1024xf32>
      %broadcast_in_dim3A_591 = vector.broadcast %jit3A_589 : f32 to vector<1024xf32>
      %select_n3A_592 = arith.select %ge3A_587, %broadcast_in_dim3A_590, %broadcast_in_dim3A_591 : vector<1024xi1>, vector<1024xf32>
      %add3A_593 = arith.addf %add3A_504, %select_n3A_592 : vector<1024xf32>
      %ge3A_594 = arith.constant 2.000000e-01 : f32
      %ge3A_595 = vector.broadcast %ge3A_594 : f32 to vector<1024xf32>
      %ge3A_596 = arith.cmpf oge, %get3A_584, %ge3A_595 : vector<1024xf32>
      %jit3A_597 = arith.constant 1.000000e+00 : f32
      %jit3A_598 = arith.constant 0.000000e+00 : f32
      %broadcast_in_dim3A_599 = vector.broadcast %jit3A_597 : f32 to vector<1024xf32>
      %broadcast_in_dim3A_600 = vector.broadcast %jit3A_598 : f32 to vector<1024xf32>
      %select_n3A_601 = arith.select %ge3A_596, %broadcast_in_dim3A_599, %broadcast_in_dim3A_600 : vector<1024xi1>, vector<1024xf32>
      %add3A_602 = arith.addf %add3A_513, %select_n3A_601 : vector<1024xf32>
      %ge3A_603 = arith.constant 3.000000e-01 : f32
      %ge3A_604 = vector.broadcast %ge3A_603 : f32 to vector<1024xf32>
      %ge3A_605 = arith.cmpf oge, %get3A_584, %ge3A_604 : vector<1024xf32>
      %jit3A_606 = arith.constant 1.000000e+00 : f32
      %jit3A_607 = arith.constant 0.000000e+00 : f32
      %broadcast_in_dim3A_608 = vector.broadcast %jit3A_606 : f32 to vector<1024xf32>
      %broadcast_in_dim3A_609 = vector.broadcast %jit3A_607 : f32 to vector<1024xf32>
      %select_n3A_610 = arith.select %ge3A_605, %broadcast_in_dim3A_608, %broadcast_in_dim3A_609 : vector<1024xi1>, vector<1024xf32>
      %add3A_611 = arith.addf %add3A_522, %select_n3A_610 : vector<1024xf32>
      %ge3A_612 = arith.constant 4.000000e-01 : f32
      %ge3A_613 = vector.broadcast %ge3A_612 : f32 to vector<1024xf32>
      %ge3A_614 = arith.cmpf oge, %get3A_584, %ge3A_613 : vector<1024xf32>
      %jit3A_615 = arith.constant 1.000000e+00 : f32
      %jit3A_616 = arith.constant 0.000000e+00 : f32
      %broadcast_in_dim3A_617 = vector.broadcast %jit3A_615 : f32 to vector<1024xf32>
      %broadcast_in_dim3A_618 = vector.broadcast %jit3A_616 : f32 to vector<1024xf32>
      %select_n3A_619 = arith.select %ge3A_614, %broadcast_in_dim3A_617, %broadcast_in_dim3A_618 : vector<1024xi1>, vector<1024xf32>
      %add3A_620 = arith.addf %add3A_531, %select_n3A_619 : vector<1024xf32>
      %ge3A_621 = arith.constant 5.000000e-01 : f32
      %ge3A_622 = vector.broadcast %ge3A_621 : f32 to vector<1024xf32>
      %ge3A_623 = arith.cmpf oge, %get3A_584, %ge3A_622 : vector<1024xf32>
      %jit3A_624 = arith.constant 1.000000e+00 : f32
      %jit3A_625 = arith.constant 0.000000e+00 : f32
      %broadcast_in_dim3A_626 = vector.broadcast %jit3A_624 : f32 to vector<1024xf32>
      %broadcast_in_dim3A_627 = vector.broadcast %jit3A_625 : f32 to vector<1024xf32>
      %select_n3A_628 = arith.select %ge3A_623, %broadcast_in_dim3A_626, %broadcast_in_dim3A_627 : vector<1024xi1>, vector<1024xf32>
      %add3A_629 = arith.addf %add3A_540, %select_n3A_628 : vector<1024xf32>
      %ge3A_630 = arith.constant 6.000000e-01 : f32
      %ge3A_631 = vector.broadcast %ge3A_630 : f32 to vector<1024xf32>
      %ge3A_632 = arith.cmpf oge, %get3A_584, %ge3A_631 : vector<1024xf32>
      %jit3A_633 = arith.constant 1.000000e+00 : f32
      %jit3A_634 = arith.constant 0.000000e+00 : f32
      %broadcast_in_dim3A_635 = vector.broadcast %jit3A_633 : f32 to vector<1024xf32>
      %broadcast_in_dim3A_636 = vector.broadcast %jit3A_634 : f32 to vector<1024xf32>
      %select_n3A_637 = arith.select %ge3A_632, %broadcast_in_dim3A_635, %broadcast_in_dim3A_636 : vector<1024xi1>, vector<1024xf32>
      %add3A_638 = arith.addf %add3A_549, %select_n3A_637 : vector<1024xf32>
      %ge3A_639 = arith.constant 0.699999988 : f32
      %ge3A_640 = vector.broadcast %ge3A_639 : f32 to vector<1024xf32>
      %ge3A_641 = arith.cmpf oge, %get3A_584, %ge3A_640 : vector<1024xf32>
      %jit3A_642 = arith.constant 1.000000e+00 : f32
      %jit3A_643 = arith.constant 0.000000e+00 : f32
      %broadcast_in_dim3A_644 = vector.broadcast %jit3A_642 : f32 to vector<1024xf32>
      %broadcast_in_dim3A_645 = vector.broadcast %jit3A_643 : f32 to vector<1024xf32>
      %select_n3A_646 = arith.select %ge3A_641, %broadcast_in_dim3A_644, %broadcast_in_dim3A_645 : vector<1024xi1>, vector<1024xf32>
      %add3A_647 = arith.addf %add3A_558, %select_n3A_646 : vector<1024xf32>
      %ge3A_648 = arith.constant 8.000000e-01 : f32
      %ge3A_649 = vector.broadcast %ge3A_648 : f32 to vector<1024xf32>
      %ge3A_650 = arith.cmpf oge, %get3A_584, %ge3A_649 : vector<1024xf32>
      %jit3A_651 = arith.constant 1.000000e+00 : f32
      %jit3A_652 = arith.constant 0.000000e+00 : f32
      %broadcast_in_dim3A_653 = vector.broadcast %jit3A_651 : f32 to vector<1024xf32>
      %broadcast_in_dim3A_654 = vector.broadcast %jit3A_652 : f32 to vector<1024xf32>
      %select_n3A_655 = arith.select %ge3A_650, %broadcast_in_dim3A_653, %broadcast_in_dim3A_654 : vector<1024xi1>, vector<1024xf32>
      %add3A_656 = arith.addf %add3A_567, %select_n3A_655 : vector<1024xf32>
      %ge3A_657 = arith.constant 0.899999976 : f32
      %ge3A_658 = vector.broadcast %ge3A_657 : f32 to vector<1024xf32>
      %ge3A_659 = arith.cmpf oge, %get3A_584, %ge3A_658 : vector<1024xf32>
      %jit3A_660 = arith.constant 1.000000e+00 : f32
      %jit3A_661 = arith.constant 0.000000e+00 : f32
      %broadcast_in_dim3A_662 = vector.broadcast %jit3A_660 : f32 to vector<1024xf32>
      %broadcast_in_dim3A_663 = vector.broadcast %jit3A_661 : f32 to vector<1024xf32>
      %select_n3A_664 = arith.select %ge3A_659, %broadcast_in_dim3A_662, %broadcast_in_dim3A_663 : vector<1024xi1>, vector<1024xf32>
      %add3A_665 = arith.addf %add3A_576, %select_n3A_664 : vector<1024xf32>
      %mul3A_666 = arith.constant 16 : i32
      %mul3A_667 = arith.muli %scan3A_37, %mul3A_666 : i32
      %add3A_668 = arith.constant 7 : i32
      %add3A_669 = arith.addi %mul3A_667, %add3A_668 : i32
      %mul3A_670 = arith.constant 1024 : i32
      %mul3A_671 = arith.muli %add3A_669, %mul3A_670 : i32
      %get3A_672 = arith.index_cast %mul3A_671 : i32 to index
      %get3A_673 = vector.load %arg1[%get3A_672] : memref<1048576xf32, #tpu.memory_space<vmem>>, vector<1024xf32>
      %ge3A_674 = arith.constant 1.000000e-01 : f32
      %ge3A_675 = vector.broadcast %ge3A_674 : f32 to vector<1024xf32>
      %ge3A_676 = arith.cmpf oge, %get3A_673, %ge3A_675 : vector<1024xf32>
      %jit3A_677 = arith.constant 1.000000e+00 : f32
      %jit3A_678 = arith.constant 0.000000e+00 : f32
      %broadcast_in_dim3A_679 = vector.broadcast %jit3A_677 : f32 to vector<1024xf32>
      %broadcast_in_dim3A_680 = vector.broadcast %jit3A_678 : f32 to vector<1024xf32>
      %select_n3A_681 = arith.select %ge3A_676, %broadcast_in_dim3A_679, %broadcast_in_dim3A_680 : vector<1024xi1>, vector<1024xf32>
      %add3A_682 = arith.addf %add3A_593, %select_n3A_681 : vector<1024xf32>
      %ge3A_683 = arith.constant 2.000000e-01 : f32
      %ge3A_684 = vector.broadcast %ge3A_683 : f32 to vector<1024xf32>
      %ge3A_685 = arith.cmpf oge, %get3A_673, %ge3A_684 : vector<1024xf32>
      %jit3A_686 = arith.constant 1.000000e+00 : f32
      %jit3A_687 = arith.constant 0.000000e+00 : f32
      %broadcast_in_dim3A_688 = vector.broadcast %jit3A_686 : f32 to vector<1024xf32>
      %broadcast_in_dim3A_689 = vector.broadcast %jit3A_687 : f32 to vector<1024xf32>
      %select_n3A_690 = arith.select %ge3A_685, %broadcast_in_dim3A_688, %broadcast_in_dim3A_689 : vector<1024xi1>, vector<1024xf32>
      %add3A_691 = arith.addf %add3A_602, %select_n3A_690 : vector<1024xf32>
      %ge3A_692 = arith.constant 3.000000e-01 : f32
      %ge3A_693 = vector.broadcast %ge3A_692 : f32 to vector<1024xf32>
      %ge3A_694 = arith.cmpf oge, %get3A_673, %ge3A_693 : vector<1024xf32>
      %jit3A_695 = arith.constant 1.000000e+00 : f32
      %jit3A_696 = arith.constant 0.000000e+00 : f32
      %broadcast_in_dim3A_697 = vector.broadcast %jit3A_695 : f32 to vector<1024xf32>
      %broadcast_in_dim3A_698 = vector.broadcast %jit3A_696 : f32 to vector<1024xf32>
      %select_n3A_699 = arith.select %ge3A_694, %broadcast_in_dim3A_697, %broadcast_in_dim3A_698 : vector<1024xi1>, vector<1024xf32>
      %add3A_700 = arith.addf %add3A_611, %select_n3A_699 : vector<1024xf32>
      %ge3A_701 = arith.constant 4.000000e-01 : f32
      %ge3A_702 = vector.broadcast %ge3A_701 : f32 to vector<1024xf32>
      %ge3A_703 = arith.cmpf oge, %get3A_673, %ge3A_702 : vector<1024xf32>
      %jit3A_704 = arith.constant 1.000000e+00 : f32
      %jit3A_705 = arith.constant 0.000000e+00 : f32
      %broadcast_in_dim3A_706 = vector.broadcast %jit3A_704 : f32 to vector<1024xf32>
      %broadcast_in_dim3A_707 = vector.broadcast %jit3A_705 : f32 to vector<1024xf32>
      %select_n3A_708 = arith.select %ge3A_703, %broadcast_in_dim3A_706, %broadcast_in_dim3A_707 : vector<1024xi1>, vector<1024xf32>
      %add3A_709 = arith.addf %add3A_620, %select_n3A_708 : vector<1024xf32>
      %ge3A_710 = arith.constant 5.000000e-01 : f32
      %ge3A_711 = vector.broadcast %ge3A_710 : f32 to vector<1024xf32>
      %ge3A_712 = arith.cmpf oge, %get3A_673, %ge3A_711 : vector<1024xf32>
      %jit3A_713 = arith.constant 1.000000e+00 : f32
      %jit3A_714 = arith.constant 0.000000e+00 : f32
      %broadcast_in_dim3A_715 = vector.broadcast %jit3A_713 : f32 to vector<1024xf32>
      %broadcast_in_dim3A_716 = vector.broadcast %jit3A_714 : f32 to vector<1024xf32>
      %select_n3A_717 = arith.select %ge3A_712, %broadcast_in_dim3A_715, %broadcast_in_dim3A_716 : vector<1024xi1>, vector<1024xf32>
      %add3A_718 = arith.addf %add3A_629, %select_n3A_717 : vector<1024xf32>
      %ge3A_719 = arith.constant 6.000000e-01 : f32
      %ge3A_720 = vector.broadcast %ge3A_719 : f32 to vector<1024xf32>
      %ge3A_721 = arith.cmpf oge, %get3A_673, %ge3A_720 : vector<1024xf32>
      %jit3A_722 = arith.constant 1.000000e+00 : f32
      %jit3A_723 = arith.constant 0.000000e+00 : f32
      %broadcast_in_dim3A_724 = vector.broadcast %jit3A_722 : f32 to vector<1024xf32>
      %broadcast_in_dim3A_725 = vector.broadcast %jit3A_723 : f32 to vector<1024xf32>
      %select_n3A_726 = arith.select %ge3A_721, %broadcast_in_dim3A_724, %broadcast_in_dim3A_725 : vector<1024xi1>, vector<1024xf32>
      %add3A_727 = arith.addf %add3A_638, %select_n3A_726 : vector<1024xf32>
      %ge3A_728 = arith.constant 0.699999988 : f32
      %ge3A_729 = vector.broadcast %ge3A_728 : f32 to vector<1024xf32>
      %ge3A_730 = arith.cmpf oge, %get3A_673, %ge3A_729 : vector<1024xf32>
      %jit3A_731 = arith.constant 1.000000e+00 : f32
      %jit3A_732 = arith.constant 0.000000e+00 : f32
      %broadcast_in_dim3A_733 = vector.broadcast %jit3A_731 : f32 to vector<1024xf32>
      %broadcast_in_dim3A_734 = vector.broadcast %jit3A_732 : f32 to vector<1024xf32>
      %select_n3A_735 = arith.select %ge3A_730, %broadcast_in_dim3A_733, %broadcast_in_dim3A_734 : vector<1024xi1>, vector<1024xf32>
      %add3A_736 = arith.addf %add3A_647, %select_n3A_735 : vector<1024xf32>
      %ge3A_737 = arith.constant 8.000000e-01 : f32
      %ge3A_738 = vector.broadcast %ge3A_737 : f32 to vector<1024xf32>
      %ge3A_739 = arith.cmpf oge, %get3A_673, %ge3A_738 : vector<1024xf32>
      %jit3A_740 = arith.constant 1.000000e+00 : f32
      %jit3A_741 = arith.constant 0.000000e+00 : f32
      %broadcast_in_dim3A_742 = vector.broadcast %jit3A_740 : f32 to vector<1024xf32>
      %broadcast_in_dim3A_743 = vector.broadcast %jit3A_741 : f32 to vector<1024xf32>
      %select_n3A_744 = arith.select %ge3A_739, %broadcast_in_dim3A_742, %broadcast_in_dim3A_743 : vector<1024xi1>, vector<1024xf32>
      %add3A_745 = arith.addf %add3A_656, %select_n3A_744 : vector<1024xf32>
      %ge3A_746 = arith.constant 0.899999976 : f32
      %ge3A_747 = vector.broadcast %ge3A_746 : f32 to vector<1024xf32>
      %ge3A_748 = arith.cmpf oge, %get3A_673, %ge3A_747 : vector<1024xf32>
      %jit3A_749 = arith.constant 1.000000e+00 : f32
      %jit3A_750 = arith.constant 0.000000e+00 : f32
      %broadcast_in_dim3A_751 = vector.broadcast %jit3A_749 : f32 to vector<1024xf32>
      %broadcast_in_dim3A_752 = vector.broadcast %jit3A_750 : f32 to vector<1024xf32>
      %select_n3A_753 = arith.select %ge3A_748, %broadcast_in_dim3A_751, %broadcast_in_dim3A_752 : vector<1024xi1>, vector<1024xf32>
      %add3A_754 = arith.addf %add3A_665, %select_n3A_753 : vector<1024xf32>
      %mul3A_755 = arith.constant 16 : i32
      %mul3A_756 = arith.muli %scan3A_37, %mul3A_755 : i32
      %add3A_757 = arith.constant 8 : i32
      %add3A_758 = arith.addi %mul3A_756, %add3A_757 : i32
      %mul3A_759 = arith.constant 1024 : i32
      %mul3A_760 = arith.muli %add3A_758, %mul3A_759 : i32
      %get3A_761 = arith.index_cast %mul3A_760 : i32 to index
      %get3A_762 = vector.load %arg1[%get3A_761] : memref<1048576xf32, #tpu.memory_space<vmem>>, vector<1024xf32>
      %ge3A_763 = arith.constant 1.000000e-01 : f32
      %ge3A_764 = vector.broadcast %ge3A_763 : f32 to vector<1024xf32>
      %ge3A_765 = arith.cmpf oge, %get3A_762, %ge3A_764 : vector<1024xf32>
      %jit3A_766 = arith.constant 1.000000e+00 : f32
      %jit3A_767 = arith.constant 0.000000e+00 : f32
      %broadcast_in_dim3A_768 = vector.broadcast %jit3A_766 : f32 to vector<1024xf32>
      %broadcast_in_dim3A_769 = vector.broadcast %jit3A_767 : f32 to vector<1024xf32>
      %select_n3A_770 = arith.select %ge3A_765, %broadcast_in_dim3A_768, %broadcast_in_dim3A_769 : vector<1024xi1>, vector<1024xf32>
      %add3A_771 = arith.addf %add3A_682, %select_n3A_770 : vector<1024xf32>
      %ge3A_772 = arith.constant 2.000000e-01 : f32
      %ge3A_773 = vector.broadcast %ge3A_772 : f32 to vector<1024xf32>
      %ge3A_774 = arith.cmpf oge, %get3A_762, %ge3A_773 : vector<1024xf32>
      %jit3A_775 = arith.constant 1.000000e+00 : f32
      %jit3A_776 = arith.constant 0.000000e+00 : f32
      %broadcast_in_dim3A_777 = vector.broadcast %jit3A_775 : f32 to vector<1024xf32>
      %broadcast_in_dim3A_778 = vector.broadcast %jit3A_776 : f32 to vector<1024xf32>
      %select_n3A_779 = arith.select %ge3A_774, %broadcast_in_dim3A_777, %broadcast_in_dim3A_778 : vector<1024xi1>, vector<1024xf32>
      %add3A_780 = arith.addf %add3A_691, %select_n3A_779 : vector<1024xf32>
      %ge3A_781 = arith.constant 3.000000e-01 : f32
      %ge3A_782 = vector.broadcast %ge3A_781 : f32 to vector<1024xf32>
      %ge3A_783 = arith.cmpf oge, %get3A_762, %ge3A_782 : vector<1024xf32>
      %jit3A_784 = arith.constant 1.000000e+00 : f32
      %jit3A_785 = arith.constant 0.000000e+00 : f32
      %broadcast_in_dim3A_786 = vector.broadcast %jit3A_784 : f32 to vector<1024xf32>
      %broadcast_in_dim3A_787 = vector.broadcast %jit3A_785 : f32 to vector<1024xf32>
      %select_n3A_788 = arith.select %ge3A_783, %broadcast_in_dim3A_786, %broadcast_in_dim3A_787 : vector<1024xi1>, vector<1024xf32>
      %add3A_789 = arith.addf %add3A_700, %select_n3A_788 : vector<1024xf32>
      %ge3A_790 = arith.constant 4.000000e-01 : f32
      %ge3A_791 = vector.broadcast %ge3A_790 : f32 to vector<1024xf32>
      %ge3A_792 = arith.cmpf oge, %get3A_762, %ge3A_791 : vector<1024xf32>
      %jit3A_793 = arith.constant 1.000000e+00 : f32
      %jit3A_794 = arith.constant 0.000000e+00 : f32
      %broadcast_in_dim3A_795 = vector.broadcast %jit3A_793 : f32 to vector<1024xf32>
      %broadcast_in_dim3A_796 = vector.broadcast %jit3A_794 : f32 to vector<1024xf32>
      %select_n3A_797 = arith.select %ge3A_792, %broadcast_in_dim3A_795, %broadcast_in_dim3A_796 : vector<1024xi1>, vector<1024xf32>
      %add3A_798 = arith.addf %add3A_709, %select_n3A_797 : vector<1024xf32>
      %ge3A_799 = arith.constant 5.000000e-01 : f32
      %ge3A_800 = vector.broadcast %ge3A_799 : f32 to vector<1024xf32>
      %ge3A_801 = arith.cmpf oge, %get3A_762, %ge3A_800 : vector<1024xf32>
      %jit3A_802 = arith.constant 1.000000e+00 : f32
      %jit3A_803 = arith.constant 0.000000e+00 : f32
      %broadcast_in_dim3A_804 = vector.broadcast %jit3A_802 : f32 to vector<1024xf32>
      %broadcast_in_dim3A_805 = vector.broadcast %jit3A_803 : f32 to vector<1024xf32>
      %select_n3A_806 = arith.select %ge3A_801, %broadcast_in_dim3A_804, %broadcast_in_dim3A_805 : vector<1024xi1>, vector<1024xf32>
      %add3A_807 = arith.addf %add3A_718, %select_n3A_806 : vector<1024xf32>
      %ge3A_808 = arith.constant 6.000000e-01 : f32
      %ge3A_809 = vector.broadcast %ge3A_808 : f32 to vector<1024xf32>
      %ge3A_810 = arith.cmpf oge, %get3A_762, %ge3A_809 : vector<1024xf32>
      %jit3A_811 = arith.constant 1.000000e+00 : f32
      %jit3A_812 = arith.constant 0.000000e+00 : f32
      %broadcast_in_dim3A_813 = vector.broadcast %jit3A_811 : f32 to vector<1024xf32>
      %broadcast_in_dim3A_814 = vector.broadcast %jit3A_812 : f32 to vector<1024xf32>
      %select_n3A_815 = arith.select %ge3A_810, %broadcast_in_dim3A_813, %broadcast_in_dim3A_814 : vector<1024xi1>, vector<1024xf32>
      %add3A_816 = arith.addf %add3A_727, %select_n3A_815 : vector<1024xf32>
      %ge3A_817 = arith.constant 0.699999988 : f32
      %ge3A_818 = vector.broadcast %ge3A_817 : f32 to vector<1024xf32>
      %ge3A_819 = arith.cmpf oge, %get3A_762, %ge3A_818 : vector<1024xf32>
      %jit3A_820 = arith.constant 1.000000e+00 : f32
      %jit3A_821 = arith.constant 0.000000e+00 : f32
      %broadcast_in_dim3A_822 = vector.broadcast %jit3A_820 : f32 to vector<1024xf32>
      %broadcast_in_dim3A_823 = vector.broadcast %jit3A_821 : f32 to vector<1024xf32>
      %select_n3A_824 = arith.select %ge3A_819, %broadcast_in_dim3A_822, %broadcast_in_dim3A_823 : vector<1024xi1>, vector<1024xf32>
      %add3A_825 = arith.addf %add3A_736, %select_n3A_824 : vector<1024xf32>
      %ge3A_826 = arith.constant 8.000000e-01 : f32
      %ge3A_827 = vector.broadcast %ge3A_826 : f32 to vector<1024xf32>
      %ge3A_828 = arith.cmpf oge, %get3A_762, %ge3A_827 : vector<1024xf32>
      %jit3A_829 = arith.constant 1.000000e+00 : f32
      %jit3A_830 = arith.constant 0.000000e+00 : f32
      %broadcast_in_dim3A_831 = vector.broadcast %jit3A_829 : f32 to vector<1024xf32>
      %broadcast_in_dim3A_832 = vector.broadcast %jit3A_830 : f32 to vector<1024xf32>
      %select_n3A_833 = arith.select %ge3A_828, %broadcast_in_dim3A_831, %broadcast_in_dim3A_832 : vector<1024xi1>, vector<1024xf32>
      %add3A_834 = arith.addf %add3A_745, %select_n3A_833 : vector<1024xf32>
      %ge3A_835 = arith.constant 0.899999976 : f32
      %ge3A_836 = vector.broadcast %ge3A_835 : f32 to vector<1024xf32>
      %ge3A_837 = arith.cmpf oge, %get3A_762, %ge3A_836 : vector<1024xf32>
      %jit3A_838 = arith.constant 1.000000e+00 : f32
      %jit3A_839 = arith.constant 0.000000e+00 : f32
      %broadcast_in_dim3A_840 = vector.broadcast %jit3A_838 : f32 to vector<1024xf32>
      %broadcast_in_dim3A_841 = vector.broadcast %jit3A_839 : f32 to vector<1024xf32>
      %select_n3A_842 = arith.select %ge3A_837, %broadcast_in_dim3A_840, %broadcast_in_dim3A_841 : vector<1024xi1>, vector<1024xf32>
      %add3A_843 = arith.addf %add3A_754, %select_n3A_842 : vector<1024xf32>
      %mul3A_844 = arith.constant 16 : i32
      %mul3A_845 = arith.muli %scan3A_37, %mul3A_844 : i32
      %add3A_846 = arith.constant 9 : i32
      %add3A_847 = arith.addi %mul3A_845, %add3A_846 : i32
      %mul3A_848 = arith.constant 1024 : i32
      %mul3A_849 = arith.muli %add3A_847, %mul3A_848 : i32
      %get3A_850 = arith.index_cast %mul3A_849 : i32 to index
      %get3A_851 = vector.load %arg1[%get3A_850] : memref<1048576xf32, #tpu.memory_space<vmem>>, vector<1024xf32>
      %ge3A_852 = arith.constant 1.000000e-01 : f32
      %ge3A_853 = vector.broadcast %ge3A_852 : f32 to vector<1024xf32>
      %ge3A_854 = arith.cmpf oge, %get3A_851, %ge3A_853 : vector<1024xf32>
      %jit3A_855 = arith.constant 1.000000e+00 : f32
      %jit3A_856 = arith.constant 0.000000e+00 : f32
      %broadcast_in_dim3A_857 = vector.broadcast %jit3A_855 : f32 to vector<1024xf32>
      %broadcast_in_dim3A_858 = vector.broadcast %jit3A_856 : f32 to vector<1024xf32>
      %select_n3A_859 = arith.select %ge3A_854, %broadcast_in_dim3A_857, %broadcast_in_dim3A_858 : vector<1024xi1>, vector<1024xf32>
      %add3A_860 = arith.addf %add3A_771, %select_n3A_859 : vector<1024xf32>
      %ge3A_861 = arith.constant 2.000000e-01 : f32
      %ge3A_862 = vector.broadcast %ge3A_861 : f32 to vector<1024xf32>
      %ge3A_863 = arith.cmpf oge, %get3A_851, %ge3A_862 : vector<1024xf32>
      %jit3A_864 = arith.constant 1.000000e+00 : f32
      %jit3A_865 = arith.constant 0.000000e+00 : f32
      %broadcast_in_dim3A_866 = vector.broadcast %jit3A_864 : f32 to vector<1024xf32>
      %broadcast_in_dim3A_867 = vector.broadcast %jit3A_865 : f32 to vector<1024xf32>
      %select_n3A_868 = arith.select %ge3A_863, %broadcast_in_dim3A_866, %broadcast_in_dim3A_867 : vector<1024xi1>, vector<1024xf32>
      %add3A_869 = arith.addf %add3A_780, %select_n3A_868 : vector<1024xf32>
      %ge3A_870 = arith.constant 3.000000e-01 : f32
      %ge3A_871 = vector.broadcast %ge3A_870 : f32 to vector<1024xf32>
      %ge3A_872 = arith.cmpf oge, %get3A_851, %ge3A_871 : vector<1024xf32>
      %jit3A_873 = arith.constant 1.000000e+00 : f32
      %jit3A_874 = arith.constant 0.000000e+00 : f32
      %broadcast_in_dim3A_875 = vector.broadcast %jit3A_873 : f32 to vector<1024xf32>
      %broadcast_in_dim3A_876 = vector.broadcast %jit3A_874 : f32 to vector<1024xf32>
      %select_n3A_877 = arith.select %ge3A_872, %broadcast_in_dim3A_875, %broadcast_in_dim3A_876 : vector<1024xi1>, vector<1024xf32>
      %add3A_878 = arith.addf %add3A_789, %select_n3A_877 : vector<1024xf32>
      %ge3A_879 = arith.constant 4.000000e-01 : f32
      %ge3A_880 = vector.broadcast %ge3A_879 : f32 to vector<1024xf32>
      %ge3A_881 = arith.cmpf oge, %get3A_851, %ge3A_880 : vector<1024xf32>
      %jit3A_882 = arith.constant 1.000000e+00 : f32
      %jit3A_883 = arith.constant 0.000000e+00 : f32
      %broadcast_in_dim3A_884 = vector.broadcast %jit3A_882 : f32 to vector<1024xf32>
      %broadcast_in_dim3A_885 = vector.broadcast %jit3A_883 : f32 to vector<1024xf32>
      %select_n3A_886 = arith.select %ge3A_881, %broadcast_in_dim3A_884, %broadcast_in_dim3A_885 : vector<1024xi1>, vector<1024xf32>
      %add3A_887 = arith.addf %add3A_798, %select_n3A_886 : vector<1024xf32>
      %ge3A_888 = arith.constant 5.000000e-01 : f32
      %ge3A_889 = vector.broadcast %ge3A_888 : f32 to vector<1024xf32>
      %ge3A_890 = arith.cmpf oge, %get3A_851, %ge3A_889 : vector<1024xf32>
      %jit3A_891 = arith.constant 1.000000e+00 : f32
      %jit3A_892 = arith.constant 0.000000e+00 : f32
      %broadcast_in_dim3A_893 = vector.broadcast %jit3A_891 : f32 to vector<1024xf32>
      %broadcast_in_dim3A_894 = vector.broadcast %jit3A_892 : f32 to vector<1024xf32>
      %select_n3A_895 = arith.select %ge3A_890, %broadcast_in_dim3A_893, %broadcast_in_dim3A_894 : vector<1024xi1>, vector<1024xf32>
      %add3A_896 = arith.addf %add3A_807, %select_n3A_895 : vector<1024xf32>
      %ge3A_897 = arith.constant 6.000000e-01 : f32
      %ge3A_898 = vector.broadcast %ge3A_897 : f32 to vector<1024xf32>
      %ge3A_899 = arith.cmpf oge, %get3A_851, %ge3A_898 : vector<1024xf32>
      %jit3A_900 = arith.constant 1.000000e+00 : f32
      %jit3A_901 = arith.constant 0.000000e+00 : f32
      %broadcast_in_dim3A_902 = vector.broadcast %jit3A_900 : f32 to vector<1024xf32>
      %broadcast_in_dim3A_903 = vector.broadcast %jit3A_901 : f32 to vector<1024xf32>
      %select_n3A_904 = arith.select %ge3A_899, %broadcast_in_dim3A_902, %broadcast_in_dim3A_903 : vector<1024xi1>, vector<1024xf32>
      %add3A_905 = arith.addf %add3A_816, %select_n3A_904 : vector<1024xf32>
      %ge3A_906 = arith.constant 0.699999988 : f32
      %ge3A_907 = vector.broadcast %ge3A_906 : f32 to vector<1024xf32>
      %ge3A_908 = arith.cmpf oge, %get3A_851, %ge3A_907 : vector<1024xf32>
      %jit3A_909 = arith.constant 1.000000e+00 : f32
      %jit3A_910 = arith.constant 0.000000e+00 : f32
      %broadcast_in_dim3A_911 = vector.broadcast %jit3A_909 : f32 to vector<1024xf32>
      %broadcast_in_dim3A_912 = vector.broadcast %jit3A_910 : f32 to vector<1024xf32>
      %select_n3A_913 = arith.select %ge3A_908, %broadcast_in_dim3A_911, %broadcast_in_dim3A_912 : vector<1024xi1>, vector<1024xf32>
      %add3A_914 = arith.addf %add3A_825, %select_n3A_913 : vector<1024xf32>
      %ge3A_915 = arith.constant 8.000000e-01 : f32
      %ge3A_916 = vector.broadcast %ge3A_915 : f32 to vector<1024xf32>
      %ge3A_917 = arith.cmpf oge, %get3A_851, %ge3A_916 : vector<1024xf32>
      %jit3A_918 = arith.constant 1.000000e+00 : f32
      %jit3A_919 = arith.constant 0.000000e+00 : f32
      %broadcast_in_dim3A_920 = vector.broadcast %jit3A_918 : f32 to vector<1024xf32>
      %broadcast_in_dim3A_921 = vector.broadcast %jit3A_919 : f32 to vector<1024xf32>
      %select_n3A_922 = arith.select %ge3A_917, %broadcast_in_dim3A_920, %broadcast_in_dim3A_921 : vector<1024xi1>, vector<1024xf32>
      %add3A_923 = arith.addf %add3A_834, %select_n3A_922 : vector<1024xf32>
      %ge3A_924 = arith.constant 0.899999976 : f32
      %ge3A_925 = vector.broadcast %ge3A_924 : f32 to vector<1024xf32>
      %ge3A_926 = arith.cmpf oge, %get3A_851, %ge3A_925 : vector<1024xf32>
      %jit3A_927 = arith.constant 1.000000e+00 : f32
      %jit3A_928 = arith.constant 0.000000e+00 : f32
      %broadcast_in_dim3A_929 = vector.broadcast %jit3A_927 : f32 to vector<1024xf32>
      %broadcast_in_dim3A_930 = vector.broadcast %jit3A_928 : f32 to vector<1024xf32>
      %select_n3A_931 = arith.select %ge3A_926, %broadcast_in_dim3A_929, %broadcast_in_dim3A_930 : vector<1024xi1>, vector<1024xf32>
      %add3A_932 = arith.addf %add3A_843, %select_n3A_931 : vector<1024xf32>
      %mul3A_933 = arith.constant 16 : i32
      %mul3A_934 = arith.muli %scan3A_37, %mul3A_933 : i32
      %add3A_935 = arith.constant 10 : i32
      %add3A_936 = arith.addi %mul3A_934, %add3A_935 : i32
      %mul3A_937 = arith.constant 1024 : i32
      %mul3A_938 = arith.muli %add3A_936, %mul3A_937 : i32
      %get3A_939 = arith.index_cast %mul3A_938 : i32 to index
      %get3A_940 = vector.load %arg1[%get3A_939] : memref<1048576xf32, #tpu.memory_space<vmem>>, vector<1024xf32>
      %ge3A_941 = arith.constant 1.000000e-01 : f32
      %ge3A_942 = vector.broadcast %ge3A_941 : f32 to vector<1024xf32>
      %ge3A_943 = arith.cmpf oge, %get3A_940, %ge3A_942 : vector<1024xf32>
      %jit3A_944 = arith.constant 1.000000e+00 : f32
      %jit3A_945 = arith.constant 0.000000e+00 : f32
      %broadcast_in_dim3A_946 = vector.broadcast %jit3A_944 : f32 to vector<1024xf32>
      %broadcast_in_dim3A_947 = vector.broadcast %jit3A_945 : f32 to vector<1024xf32>
      %select_n3A_948 = arith.select %ge3A_943, %broadcast_in_dim3A_946, %broadcast_in_dim3A_947 : vector<1024xi1>, vector<1024xf32>
      %add3A_949 = arith.addf %add3A_860, %select_n3A_948 : vector<1024xf32>
      %ge3A_950 = arith.constant 2.000000e-01 : f32
      %ge3A_951 = vector.broadcast %ge3A_950 : f32 to vector<1024xf32>
      %ge3A_952 = arith.cmpf oge, %get3A_940, %ge3A_951 : vector<1024xf32>
      %jit3A_953 = arith.constant 1.000000e+00 : f32
      %jit3A_954 = arith.constant 0.000000e+00 : f32
      %broadcast_in_dim3A_955 = vector.broadcast %jit3A_953 : f32 to vector<1024xf32>
      %broadcast_in_dim3A_956 = vector.broadcast %jit3A_954 : f32 to vector<1024xf32>
      %select_n3A_957 = arith.select %ge3A_952, %broadcast_in_dim3A_955, %broadcast_in_dim3A_956 : vector<1024xi1>, vector<1024xf32>
      %add3A_958 = arith.addf %add3A_869, %select_n3A_957 : vector<1024xf32>
      %ge3A_959 = arith.constant 3.000000e-01 : f32
      %ge3A_960 = vector.broadcast %ge3A_959 : f32 to vector<1024xf32>
      %ge3A_961 = arith.cmpf oge, %get3A_940, %ge3A_960 : vector<1024xf32>
      %jit3A_962 = arith.constant 1.000000e+00 : f32
      %jit3A_963 = arith.constant 0.000000e+00 : f32
      %broadcast_in_dim3A_964 = vector.broadcast %jit3A_962 : f32 to vector<1024xf32>
      %broadcast_in_dim3A_965 = vector.broadcast %jit3A_963 : f32 to vector<1024xf32>
      %select_n3A_966 = arith.select %ge3A_961, %broadcast_in_dim3A_964, %broadcast_in_dim3A_965 : vector<1024xi1>, vector<1024xf32>
      %add3A_967 = arith.addf %add3A_878, %select_n3A_966 : vector<1024xf32>
      %ge3A_968 = arith.constant 4.000000e-01 : f32
      %ge3A_969 = vector.broadcast %ge3A_968 : f32 to vector<1024xf32>
      %ge3A_970 = arith.cmpf oge, %get3A_940, %ge3A_969 : vector<1024xf32>
      %jit3A_971 = arith.constant 1.000000e+00 : f32
      %jit3A_972 = arith.constant 0.000000e+00 : f32
      %broadcast_in_dim3A_973 = vector.broadcast %jit3A_971 : f32 to vector<1024xf32>
      %broadcast_in_dim3A_974 = vector.broadcast %jit3A_972 : f32 to vector<1024xf32>
      %select_n3A_975 = arith.select %ge3A_970, %broadcast_in_dim3A_973, %broadcast_in_dim3A_974 : vector<1024xi1>, vector<1024xf32>
      %add3A_976 = arith.addf %add3A_887, %select_n3A_975 : vector<1024xf32>
      %ge3A_977 = arith.constant 5.000000e-01 : f32
      %ge3A_978 = vector.broadcast %ge3A_977 : f32 to vector<1024xf32>
      %ge3A_979 = arith.cmpf oge, %get3A_940, %ge3A_978 : vector<1024xf32>
      %jit3A_980 = arith.constant 1.000000e+00 : f32
      %jit3A_981 = arith.constant 0.000000e+00 : f32
      %broadcast_in_dim3A_982 = vector.broadcast %jit3A_980 : f32 to vector<1024xf32>
      %broadcast_in_dim3A_983 = vector.broadcast %jit3A_981 : f32 to vector<1024xf32>
      %select_n3A_984 = arith.select %ge3A_979, %broadcast_in_dim3A_982, %broadcast_in_dim3A_983 : vector<1024xi1>, vector<1024xf32>
      %add3A_985 = arith.addf %add3A_896, %select_n3A_984 : vector<1024xf32>
      %ge3A_986 = arith.constant 6.000000e-01 : f32
      %ge3A_987 = vector.broadcast %ge3A_986 : f32 to vector<1024xf32>
      %ge3A_988 = arith.cmpf oge, %get3A_940, %ge3A_987 : vector<1024xf32>
      %jit3A_989 = arith.constant 1.000000e+00 : f32
      %jit3A_990 = arith.constant 0.000000e+00 : f32
      %broadcast_in_dim3A_991 = vector.broadcast %jit3A_989 : f32 to vector<1024xf32>
      %broadcast_in_dim3A_992 = vector.broadcast %jit3A_990 : f32 to vector<1024xf32>
      %select_n3A_993 = arith.select %ge3A_988, %broadcast_in_dim3A_991, %broadcast_in_dim3A_992 : vector<1024xi1>, vector<1024xf32>
      %add3A_994 = arith.addf %add3A_905, %select_n3A_993 : vector<1024xf32>
      %ge3A_995 = arith.constant 0.699999988 : f32
      %ge3A_996 = vector.broadcast %ge3A_995 : f32 to vector<1024xf32>
      %ge3A_997 = arith.cmpf oge, %get3A_940, %ge3A_996 : vector<1024xf32>
      %jit3A_998 = arith.constant 1.000000e+00 : f32
      %jit3A_999 = arith.constant 0.000000e+00 : f32
      %broadcast_in_dim3A_1000 = vector.broadcast %jit3A_998 : f32 to vector<1024xf32>
      %broadcast_in_dim3A_1001 = vector.broadcast %jit3A_999 : f32 to vector<1024xf32>
      %select_n3A_1002 = arith.select %ge3A_997, %broadcast_in_dim3A_1000, %broadcast_in_dim3A_1001 : vector<1024xi1>, vector<1024xf32>
      %add3A_1003 = arith.addf %add3A_914, %select_n3A_1002 : vector<1024xf32>
      %ge3A_1004 = arith.constant 8.000000e-01 : f32
      %ge3A_1005 = vector.broadcast %ge3A_1004 : f32 to vector<1024xf32>
      %ge3A_1006 = arith.cmpf oge, %get3A_940, %ge3A_1005 : vector<1024xf32>
      %jit3A_1007 = arith.constant 1.000000e+00 : f32
      %jit3A_1008 = arith.constant 0.000000e+00 : f32
      %broadcast_in_dim3A_1009 = vector.broadcast %jit3A_1007 : f32 to vector<1024xf32>
      %broadcast_in_dim3A_1010 = vector.broadcast %jit3A_1008 : f32 to vector<1024xf32>
      %select_n3A_1011 = arith.select %ge3A_1006, %broadcast_in_dim3A_1009, %broadcast_in_dim3A_1010 : vector<1024xi1>, vector<1024xf32>
      %add3A_1012 = arith.addf %add3A_923, %select_n3A_1011 : vector<1024xf32>
      %ge3A_1013 = arith.constant 0.899999976 : f32
      %ge3A_1014 = vector.broadcast %ge3A_1013 : f32 to vector<1024xf32>
      %ge3A_1015 = arith.cmpf oge, %get3A_940, %ge3A_1014 : vector<1024xf32>
      %jit3A_1016 = arith.constant 1.000000e+00 : f32
      %jit3A_1017 = arith.constant 0.000000e+00 : f32
      %broadcast_in_dim3A_1018 = vector.broadcast %jit3A_1016 : f32 to vector<1024xf32>
      %broadcast_in_dim3A_1019 = vector.broadcast %jit3A_1017 : f32 to vector<1024xf32>
      %select_n3A_1020 = arith.select %ge3A_1015, %broadcast_in_dim3A_1018, %broadcast_in_dim3A_1019 : vector<1024xi1>, vector<1024xf32>
      %add3A_1021 = arith.addf %add3A_932, %select_n3A_1020 : vector<1024xf32>
      %mul3A_1022 = arith.constant 16 : i32
      %mul3A_1023 = arith.muli %scan3A_37, %mul3A_1022 : i32
      %add3A_1024 = arith.constant 11 : i32
      %add3A_1025 = arith.addi %mul3A_1023, %add3A_1024 : i32
      %mul3A_1026 = arith.constant 1024 : i32
      %mul3A_1027 = arith.muli %add3A_1025, %mul3A_1026 : i32
      %get3A_1028 = arith.index_cast %mul3A_1027 : i32 to index
      %get3A_1029 = vector.load %arg1[%get3A_1028] : memref<1048576xf32, #tpu.memory_space<vmem>>, vector<1024xf32>
      %ge3A_1030 = arith.constant 1.000000e-01 : f32
      %ge3A_1031 = vector.broadcast %ge3A_1030 : f32 to vector<1024xf32>
      %ge3A_1032 = arith.cmpf oge, %get3A_1029, %ge3A_1031 : vector<1024xf32>
      %jit3A_1033 = arith.constant 1.000000e+00 : f32
      %jit3A_1034 = arith.constant 0.000000e+00 : f32
      %broadcast_in_dim3A_1035 = vector.broadcast %jit3A_1033 : f32 to vector<1024xf32>
      %broadcast_in_dim3A_1036 = vector.broadcast %jit3A_1034 : f32 to vector<1024xf32>
      %select_n3A_1037 = arith.select %ge3A_1032, %broadcast_in_dim3A_1035, %broadcast_in_dim3A_1036 : vector<1024xi1>, vector<1024xf32>
      %add3A_1038 = arith.addf %add3A_949, %select_n3A_1037 : vector<1024xf32>
      %ge3A_1039 = arith.constant 2.000000e-01 : f32
      %ge3A_1040 = vector.broadcast %ge3A_1039 : f32 to vector<1024xf32>
      %ge3A_1041 = arith.cmpf oge, %get3A_1029, %ge3A_1040 : vector<1024xf32>
      %jit3A_1042 = arith.constant 1.000000e+00 : f32
      %jit3A_1043 = arith.constant 0.000000e+00 : f32
      %broadcast_in_dim3A_1044 = vector.broadcast %jit3A_1042 : f32 to vector<1024xf32>
      %broadcast_in_dim3A_1045 = vector.broadcast %jit3A_1043 : f32 to vector<1024xf32>
      %select_n3A_1046 = arith.select %ge3A_1041, %broadcast_in_dim3A_1044, %broadcast_in_dim3A_1045 : vector<1024xi1>, vector<1024xf32>
      %add3A_1047 = arith.addf %add3A_958, %select_n3A_1046 : vector<1024xf32>
      %ge3A_1048 = arith.constant 3.000000e-01 : f32
      %ge3A_1049 = vector.broadcast %ge3A_1048 : f32 to vector<1024xf32>
      %ge3A_1050 = arith.cmpf oge, %get3A_1029, %ge3A_1049 : vector<1024xf32>
      %jit3A_1051 = arith.constant 1.000000e+00 : f32
      %jit3A_1052 = arith.constant 0.000000e+00 : f32
      %broadcast_in_dim3A_1053 = vector.broadcast %jit3A_1051 : f32 to vector<1024xf32>
      %broadcast_in_dim3A_1054 = vector.broadcast %jit3A_1052 : f32 to vector<1024xf32>
      %select_n3A_1055 = arith.select %ge3A_1050, %broadcast_in_dim3A_1053, %broadcast_in_dim3A_1054 : vector<1024xi1>, vector<1024xf32>
      %add3A_1056 = arith.addf %add3A_967, %select_n3A_1055 : vector<1024xf32>
      %ge3A_1057 = arith.constant 4.000000e-01 : f32
      %ge3A_1058 = vector.broadcast %ge3A_1057 : f32 to vector<1024xf32>
      %ge3A_1059 = arith.cmpf oge, %get3A_1029, %ge3A_1058 : vector<1024xf32>
      %jit3A_1060 = arith.constant 1.000000e+00 : f32
      %jit3A_1061 = arith.constant 0.000000e+00 : f32
      %broadcast_in_dim3A_1062 = vector.broadcast %jit3A_1060 : f32 to vector<1024xf32>
      %broadcast_in_dim3A_1063 = vector.broadcast %jit3A_1061 : f32 to vector<1024xf32>
      %select_n3A_1064 = arith.select %ge3A_1059, %broadcast_in_dim3A_1062, %broadcast_in_dim3A_1063 : vector<1024xi1>, vector<1024xf32>
      %add3A_1065 = arith.addf %add3A_976, %select_n3A_1064 : vector<1024xf32>
      %ge3A_1066 = arith.constant 5.000000e-01 : f32
      %ge3A_1067 = vector.broadcast %ge3A_1066 : f32 to vector<1024xf32>
      %ge3A_1068 = arith.cmpf oge, %get3A_1029, %ge3A_1067 : vector<1024xf32>
      %jit3A_1069 = arith.constant 1.000000e+00 : f32
      %jit3A_1070 = arith.constant 0.000000e+00 : f32
      %broadcast_in_dim3A_1071 = vector.broadcast %jit3A_1069 : f32 to vector<1024xf32>
      %broadcast_in_dim3A_1072 = vector.broadcast %jit3A_1070 : f32 to vector<1024xf32>
      %select_n3A_1073 = arith.select %ge3A_1068, %broadcast_in_dim3A_1071, %broadcast_in_dim3A_1072 : vector<1024xi1>, vector<1024xf32>
      %add3A_1074 = arith.addf %add3A_985, %select_n3A_1073 : vector<1024xf32>
      %ge3A_1075 = arith.constant 6.000000e-01 : f32
      %ge3A_1076 = vector.broadcast %ge3A_1075 : f32 to vector<1024xf32>
      %ge3A_1077 = arith.cmpf oge, %get3A_1029, %ge3A_1076 : vector<1024xf32>
      %jit3A_1078 = arith.constant 1.000000e+00 : f32
      %jit3A_1079 = arith.constant 0.000000e+00 : f32
      %broadcast_in_dim3A_1080 = vector.broadcast %jit3A_1078 : f32 to vector<1024xf32>
      %broadcast_in_dim3A_1081 = vector.broadcast %jit3A_1079 : f32 to vector<1024xf32>
      %select_n3A_1082 = arith.select %ge3A_1077, %broadcast_in_dim3A_1080, %broadcast_in_dim3A_1081 : vector<1024xi1>, vector<1024xf32>
      %add3A_1083 = arith.addf %add3A_994, %select_n3A_1082 : vector<1024xf32>
      %ge3A_1084 = arith.constant 0.699999988 : f32
      %ge3A_1085 = vector.broadcast %ge3A_1084 : f32 to vector<1024xf32>
      %ge3A_1086 = arith.cmpf oge, %get3A_1029, %ge3A_1085 : vector<1024xf32>
      %jit3A_1087 = arith.constant 1.000000e+00 : f32
      %jit3A_1088 = arith.constant 0.000000e+00 : f32
      %broadcast_in_dim3A_1089 = vector.broadcast %jit3A_1087 : f32 to vector<1024xf32>
      %broadcast_in_dim3A_1090 = vector.broadcast %jit3A_1088 : f32 to vector<1024xf32>
      %select_n3A_1091 = arith.select %ge3A_1086, %broadcast_in_dim3A_1089, %broadcast_in_dim3A_1090 : vector<1024xi1>, vector<1024xf32>
      %add3A_1092 = arith.addf %add3A_1003, %select_n3A_1091 : vector<1024xf32>
      %ge3A_1093 = arith.constant 8.000000e-01 : f32
      %ge3A_1094 = vector.broadcast %ge3A_1093 : f32 to vector<1024xf32>
      %ge3A_1095 = arith.cmpf oge, %get3A_1029, %ge3A_1094 : vector<1024xf32>
      %jit3A_1096 = arith.constant 1.000000e+00 : f32
      %jit3A_1097 = arith.constant 0.000000e+00 : f32
      %broadcast_in_dim3A_1098 = vector.broadcast %jit3A_1096 : f32 to vector<1024xf32>
      %broadcast_in_dim3A_1099 = vector.broadcast %jit3A_1097 : f32 to vector<1024xf32>
      %select_n3A_1100 = arith.select %ge3A_1095, %broadcast_in_dim3A_1098, %broadcast_in_dim3A_1099 : vector<1024xi1>, vector<1024xf32>
      %add3A_1101 = arith.addf %add3A_1012, %select_n3A_1100 : vector<1024xf32>
      %ge3A_1102 = arith.constant 0.899999976 : f32
      %ge3A_1103 = vector.broadcast %ge3A_1102 : f32 to vector<1024xf32>
      %ge3A_1104 = arith.cmpf oge, %get3A_1029, %ge3A_1103 : vector<1024xf32>
      %jit3A_1105 = arith.constant 1.000000e+00 : f32
      %jit3A_1106 = arith.constant 0.000000e+00 : f32
      %broadcast_in_dim3A_1107 = vector.broadcast %jit3A_1105 : f32 to vector<1024xf32>
      %broadcast_in_dim3A_1108 = vector.broadcast %jit3A_1106 : f32 to vector<1024xf32>
      %select_n3A_1109 = arith.select %ge3A_1104, %broadcast_in_dim3A_1107, %broadcast_in_dim3A_1108 : vector<1024xi1>, vector<1024xf32>
      %add3A_1110 = arith.addf %add3A_1021, %select_n3A_1109 : vector<1024xf32>
      %mul3A_1111 = arith.constant 16 : i32
      %mul3A_1112 = arith.muli %scan3A_37, %mul3A_1111 : i32
      %add3A_1113 = arith.constant 12 : i32
      %add3A_1114 = arith.addi %mul3A_1112, %add3A_1113 : i32
      %mul3A_1115 = arith.constant 1024 : i32
      %mul3A_1116 = arith.muli %add3A_1114, %mul3A_1115 : i32
      %get3A_1117 = arith.index_cast %mul3A_1116 : i32 to index
      %get3A_1118 = vector.load %arg1[%get3A_1117] : memref<1048576xf32, #tpu.memory_space<vmem>>, vector<1024xf32>
      %ge3A_1119 = arith.constant 1.000000e-01 : f32
      %ge3A_1120 = vector.broadcast %ge3A_1119 : f32 to vector<1024xf32>
      %ge3A_1121 = arith.cmpf oge, %get3A_1118, %ge3A_1120 : vector<1024xf32>
      %jit3A_1122 = arith.constant 1.000000e+00 : f32
      %jit3A_1123 = arith.constant 0.000000e+00 : f32
      %broadcast_in_dim3A_1124 = vector.broadcast %jit3A_1122 : f32 to vector<1024xf32>
      %broadcast_in_dim3A_1125 = vector.broadcast %jit3A_1123 : f32 to vector<1024xf32>
      %select_n3A_1126 = arith.select %ge3A_1121, %broadcast_in_dim3A_1124, %broadcast_in_dim3A_1125 : vector<1024xi1>, vector<1024xf32>
      %add3A_1127 = arith.addf %add3A_1038, %select_n3A_1126 : vector<1024xf32>
      %ge3A_1128 = arith.constant 2.000000e-01 : f32
      %ge3A_1129 = vector.broadcast %ge3A_1128 : f32 to vector<1024xf32>
      %ge3A_1130 = arith.cmpf oge, %get3A_1118, %ge3A_1129 : vector<1024xf32>
      %jit3A_1131 = arith.constant 1.000000e+00 : f32
      %jit3A_1132 = arith.constant 0.000000e+00 : f32
      %broadcast_in_dim3A_1133 = vector.broadcast %jit3A_1131 : f32 to vector<1024xf32>
      %broadcast_in_dim3A_1134 = vector.broadcast %jit3A_1132 : f32 to vector<1024xf32>
      %select_n3A_1135 = arith.select %ge3A_1130, %broadcast_in_dim3A_1133, %broadcast_in_dim3A_1134 : vector<1024xi1>, vector<1024xf32>
      %add3A_1136 = arith.addf %add3A_1047, %select_n3A_1135 : vector<1024xf32>
      %ge3A_1137 = arith.constant 3.000000e-01 : f32
      %ge3A_1138 = vector.broadcast %ge3A_1137 : f32 to vector<1024xf32>
      %ge3A_1139 = arith.cmpf oge, %get3A_1118, %ge3A_1138 : vector<1024xf32>
      %jit3A_1140 = arith.constant 1.000000e+00 : f32
      %jit3A_1141 = arith.constant 0.000000e+00 : f32
      %broadcast_in_dim3A_1142 = vector.broadcast %jit3A_1140 : f32 to vector<1024xf32>
      %broadcast_in_dim3A_1143 = vector.broadcast %jit3A_1141 : f32 to vector<1024xf32>
      %select_n3A_1144 = arith.select %ge3A_1139, %broadcast_in_dim3A_1142, %broadcast_in_dim3A_1143 : vector<1024xi1>, vector<1024xf32>
      %add3A_1145 = arith.addf %add3A_1056, %select_n3A_1144 : vector<1024xf32>
      %ge3A_1146 = arith.constant 4.000000e-01 : f32
      %ge3A_1147 = vector.broadcast %ge3A_1146 : f32 to vector<1024xf32>
      %ge3A_1148 = arith.cmpf oge, %get3A_1118, %ge3A_1147 : vector<1024xf32>
      %jit3A_1149 = arith.constant 1.000000e+00 : f32
      %jit3A_1150 = arith.constant 0.000000e+00 : f32
      %broadcast_in_dim3A_1151 = vector.broadcast %jit3A_1149 : f32 to vector<1024xf32>
      %broadcast_in_dim3A_1152 = vector.broadcast %jit3A_1150 : f32 to vector<1024xf32>
      %select_n3A_1153 = arith.select %ge3A_1148, %broadcast_in_dim3A_1151, %broadcast_in_dim3A_1152 : vector<1024xi1>, vector<1024xf32>
      %add3A_1154 = arith.addf %add3A_1065, %select_n3A_1153 : vector<1024xf32>
      %ge3A_1155 = arith.constant 5.000000e-01 : f32
      %ge3A_1156 = vector.broadcast %ge3A_1155 : f32 to vector<1024xf32>
      %ge3A_1157 = arith.cmpf oge, %get3A_1118, %ge3A_1156 : vector<1024xf32>
      %jit3A_1158 = arith.constant 1.000000e+00 : f32
      %jit3A_1159 = arith.constant 0.000000e+00 : f32
      %broadcast_in_dim3A_1160 = vector.broadcast %jit3A_1158 : f32 to vector<1024xf32>
      %broadcast_in_dim3A_1161 = vector.broadcast %jit3A_1159 : f32 to vector<1024xf32>
      %select_n3A_1162 = arith.select %ge3A_1157, %broadcast_in_dim3A_1160, %broadcast_in_dim3A_1161 : vector<1024xi1>, vector<1024xf32>
      %add3A_1163 = arith.addf %add3A_1074, %select_n3A_1162 : vector<1024xf32>
      %ge3A_1164 = arith.constant 6.000000e-01 : f32
      %ge3A_1165 = vector.broadcast %ge3A_1164 : f32 to vector<1024xf32>
      %ge3A_1166 = arith.cmpf oge, %get3A_1118, %ge3A_1165 : vector<1024xf32>
      %jit3A_1167 = arith.constant 1.000000e+00 : f32
      %jit3A_1168 = arith.constant 0.000000e+00 : f32
      %broadcast_in_dim3A_1169 = vector.broadcast %jit3A_1167 : f32 to vector<1024xf32>
      %broadcast_in_dim3A_1170 = vector.broadcast %jit3A_1168 : f32 to vector<1024xf32>
      %select_n3A_1171 = arith.select %ge3A_1166, %broadcast_in_dim3A_1169, %broadcast_in_dim3A_1170 : vector<1024xi1>, vector<1024xf32>
      %add3A_1172 = arith.addf %add3A_1083, %select_n3A_1171 : vector<1024xf32>
      %ge3A_1173 = arith.constant 0.699999988 : f32
      %ge3A_1174 = vector.broadcast %ge3A_1173 : f32 to vector<1024xf32>
      %ge3A_1175 = arith.cmpf oge, %get3A_1118, %ge3A_1174 : vector<1024xf32>
      %jit3A_1176 = arith.constant 1.000000e+00 : f32
      %jit3A_1177 = arith.constant 0.000000e+00 : f32
      %broadcast_in_dim3A_1178 = vector.broadcast %jit3A_1176 : f32 to vector<1024xf32>
      %broadcast_in_dim3A_1179 = vector.broadcast %jit3A_1177 : f32 to vector<1024xf32>
      %select_n3A_1180 = arith.select %ge3A_1175, %broadcast_in_dim3A_1178, %broadcast_in_dim3A_1179 : vector<1024xi1>, vector<1024xf32>
      %add3A_1181 = arith.addf %add3A_1092, %select_n3A_1180 : vector<1024xf32>
      %ge3A_1182 = arith.constant 8.000000e-01 : f32
      %ge3A_1183 = vector.broadcast %ge3A_1182 : f32 to vector<1024xf32>
      %ge3A_1184 = arith.cmpf oge, %get3A_1118, %ge3A_1183 : vector<1024xf32>
      %jit3A_1185 = arith.constant 1.000000e+00 : f32
      %jit3A_1186 = arith.constant 0.000000e+00 : f32
      %broadcast_in_dim3A_1187 = vector.broadcast %jit3A_1185 : f32 to vector<1024xf32>
      %broadcast_in_dim3A_1188 = vector.broadcast %jit3A_1186 : f32 to vector<1024xf32>
      %select_n3A_1189 = arith.select %ge3A_1184, %broadcast_in_dim3A_1187, %broadcast_in_dim3A_1188 : vector<1024xi1>, vector<1024xf32>
      %add3A_1190 = arith.addf %add3A_1101, %select_n3A_1189 : vector<1024xf32>
      %ge3A_1191 = arith.constant 0.899999976 : f32
      %ge3A_1192 = vector.broadcast %ge3A_1191 : f32 to vector<1024xf32>
      %ge3A_1193 = arith.cmpf oge, %get3A_1118, %ge3A_1192 : vector<1024xf32>
      %jit3A_1194 = arith.constant 1.000000e+00 : f32
      %jit3A_1195 = arith.constant 0.000000e+00 : f32
      %broadcast_in_dim3A_1196 = vector.broadcast %jit3A_1194 : f32 to vector<1024xf32>
      %broadcast_in_dim3A_1197 = vector.broadcast %jit3A_1195 : f32 to vector<1024xf32>
      %select_n3A_1198 = arith.select %ge3A_1193, %broadcast_in_dim3A_1196, %broadcast_in_dim3A_1197 : vector<1024xi1>, vector<1024xf32>
      %add3A_1199 = arith.addf %add3A_1110, %select_n3A_1198 : vector<1024xf32>
      %mul3A_1200 = arith.constant 16 : i32
      %mul3A_1201 = arith.muli %scan3A_37, %mul3A_1200 : i32
      %add3A_1202 = arith.constant 13 : i32
      %add3A_1203 = arith.addi %mul3A_1201, %add3A_1202 : i32
      %mul3A_1204 = arith.constant 1024 : i32
      %mul3A_1205 = arith.muli %add3A_1203, %mul3A_1204 : i32
      %get3A_1206 = arith.index_cast %mul3A_1205 : i32 to index
      %get3A_1207 = vector.load %arg1[%get3A_1206] : memref<1048576xf32, #tpu.memory_space<vmem>>, vector<1024xf32>
      %ge3A_1208 = arith.constant 1.000000e-01 : f32
      %ge3A_1209 = vector.broadcast %ge3A_1208 : f32 to vector<1024xf32>
      %ge3A_1210 = arith.cmpf oge, %get3A_1207, %ge3A_1209 : vector<1024xf32>
      %jit3A_1211 = arith.constant 1.000000e+00 : f32
      %jit3A_1212 = arith.constant 0.000000e+00 : f32
      %broadcast_in_dim3A_1213 = vector.broadcast %jit3A_1211 : f32 to vector<1024xf32>
      %broadcast_in_dim3A_1214 = vector.broadcast %jit3A_1212 : f32 to vector<1024xf32>
      %select_n3A_1215 = arith.select %ge3A_1210, %broadcast_in_dim3A_1213, %broadcast_in_dim3A_1214 : vector<1024xi1>, vector<1024xf32>
      %add3A_1216 = arith.addf %add3A_1127, %select_n3A_1215 : vector<1024xf32>
      %ge3A_1217 = arith.constant 2.000000e-01 : f32
      %ge3A_1218 = vector.broadcast %ge3A_1217 : f32 to vector<1024xf32>
      %ge3A_1219 = arith.cmpf oge, %get3A_1207, %ge3A_1218 : vector<1024xf32>
      %jit3A_1220 = arith.constant 1.000000e+00 : f32
      %jit3A_1221 = arith.constant 0.000000e+00 : f32
      %broadcast_in_dim3A_1222 = vector.broadcast %jit3A_1220 : f32 to vector<1024xf32>
      %broadcast_in_dim3A_1223 = vector.broadcast %jit3A_1221 : f32 to vector<1024xf32>
      %select_n3A_1224 = arith.select %ge3A_1219, %broadcast_in_dim3A_1222, %broadcast_in_dim3A_1223 : vector<1024xi1>, vector<1024xf32>
      %add3A_1225 = arith.addf %add3A_1136, %select_n3A_1224 : vector<1024xf32>
      %ge3A_1226 = arith.constant 3.000000e-01 : f32
      %ge3A_1227 = vector.broadcast %ge3A_1226 : f32 to vector<1024xf32>
      %ge3A_1228 = arith.cmpf oge, %get3A_1207, %ge3A_1227 : vector<1024xf32>
      %jit3A_1229 = arith.constant 1.000000e+00 : f32
      %jit3A_1230 = arith.constant 0.000000e+00 : f32
      %broadcast_in_dim3A_1231 = vector.broadcast %jit3A_1229 : f32 to vector<1024xf32>
      %broadcast_in_dim3A_1232 = vector.broadcast %jit3A_1230 : f32 to vector<1024xf32>
      %select_n3A_1233 = arith.select %ge3A_1228, %broadcast_in_dim3A_1231, %broadcast_in_dim3A_1232 : vector<1024xi1>, vector<1024xf32>
      %add3A_1234 = arith.addf %add3A_1145, %select_n3A_1233 : vector<1024xf32>
      %ge3A_1235 = arith.constant 4.000000e-01 : f32
      %ge3A_1236 = vector.broadcast %ge3A_1235 : f32 to vector<1024xf32>
      %ge3A_1237 = arith.cmpf oge, %get3A_1207, %ge3A_1236 : vector<1024xf32>
      %jit3A_1238 = arith.constant 1.000000e+00 : f32
      %jit3A_1239 = arith.constant 0.000000e+00 : f32
      %broadcast_in_dim3A_1240 = vector.broadcast %jit3A_1238 : f32 to vector<1024xf32>
      %broadcast_in_dim3A_1241 = vector.broadcast %jit3A_1239 : f32 to vector<1024xf32>
      %select_n3A_1242 = arith.select %ge3A_1237, %broadcast_in_dim3A_1240, %broadcast_in_dim3A_1241 : vector<1024xi1>, vector<1024xf32>
      %add3A_1243 = arith.addf %add3A_1154, %select_n3A_1242 : vector<1024xf32>
      %ge3A_1244 = arith.constant 5.000000e-01 : f32
      %ge3A_1245 = vector.broadcast %ge3A_1244 : f32 to vector<1024xf32>
      %ge3A_1246 = arith.cmpf oge, %get3A_1207, %ge3A_1245 : vector<1024xf32>
      %jit3A_1247 = arith.constant 1.000000e+00 : f32
      %jit3A_1248 = arith.constant 0.000000e+00 : f32
      %broadcast_in_dim3A_1249 = vector.broadcast %jit3A_1247 : f32 to vector<1024xf32>
      %broadcast_in_dim3A_1250 = vector.broadcast %jit3A_1248 : f32 to vector<1024xf32>
      %select_n3A_1251 = arith.select %ge3A_1246, %broadcast_in_dim3A_1249, %broadcast_in_dim3A_1250 : vector<1024xi1>, vector<1024xf32>
      %add3A_1252 = arith.addf %add3A_1163, %select_n3A_1251 : vector<1024xf32>
      %ge3A_1253 = arith.constant 6.000000e-01 : f32
      %ge3A_1254 = vector.broadcast %ge3A_1253 : f32 to vector<1024xf32>
      %ge3A_1255 = arith.cmpf oge, %get3A_1207, %ge3A_1254 : vector<1024xf32>
      %jit3A_1256 = arith.constant 1.000000e+00 : f32
      %jit3A_1257 = arith.constant 0.000000e+00 : f32
      %broadcast_in_dim3A_1258 = vector.broadcast %jit3A_1256 : f32 to vector<1024xf32>
      %broadcast_in_dim3A_1259 = vector.broadcast %jit3A_1257 : f32 to vector<1024xf32>
      %select_n3A_1260 = arith.select %ge3A_1255, %broadcast_in_dim3A_1258, %broadcast_in_dim3A_1259 : vector<1024xi1>, vector<1024xf32>
      %add3A_1261 = arith.addf %add3A_1172, %select_n3A_1260 : vector<1024xf32>
      %ge3A_1262 = arith.constant 0.699999988 : f32
      %ge3A_1263 = vector.broadcast %ge3A_1262 : f32 to vector<1024xf32>
      %ge3A_1264 = arith.cmpf oge, %get3A_1207, %ge3A_1263 : vector<1024xf32>
      %jit3A_1265 = arith.constant 1.000000e+00 : f32
      %jit3A_1266 = arith.constant 0.000000e+00 : f32
      %broadcast_in_dim3A_1267 = vector.broadcast %jit3A_1265 : f32 to vector<1024xf32>
      %broadcast_in_dim3A_1268 = vector.broadcast %jit3A_1266 : f32 to vector<1024xf32>
      %select_n3A_1269 = arith.select %ge3A_1264, %broadcast_in_dim3A_1267, %broadcast_in_dim3A_1268 : vector<1024xi1>, vector<1024xf32>
      %add3A_1270 = arith.addf %add3A_1181, %select_n3A_1269 : vector<1024xf32>
      %ge3A_1271 = arith.constant 8.000000e-01 : f32
      %ge3A_1272 = vector.broadcast %ge3A_1271 : f32 to vector<1024xf32>
      %ge3A_1273 = arith.cmpf oge, %get3A_1207, %ge3A_1272 : vector<1024xf32>
      %jit3A_1274 = arith.constant 1.000000e+00 : f32
      %jit3A_1275 = arith.constant 0.000000e+00 : f32
      %broadcast_in_dim3A_1276 = vector.broadcast %jit3A_1274 : f32 to vector<1024xf32>
      %broadcast_in_dim3A_1277 = vector.broadcast %jit3A_1275 : f32 to vector<1024xf32>
      %select_n3A_1278 = arith.select %ge3A_1273, %broadcast_in_dim3A_1276, %broadcast_in_dim3A_1277 : vector<1024xi1>, vector<1024xf32>
      %add3A_1279 = arith.addf %add3A_1190, %select_n3A_1278 : vector<1024xf32>
      %ge3A_1280 = arith.constant 0.899999976 : f32
      %ge3A_1281 = vector.broadcast %ge3A_1280 : f32 to vector<1024xf32>
      %ge3A_1282 = arith.cmpf oge, %get3A_1207, %ge3A_1281 : vector<1024xf32>
      %jit3A_1283 = arith.constant 1.000000e+00 : f32
      %jit3A_1284 = arith.constant 0.000000e+00 : f32
      %broadcast_in_dim3A_1285 = vector.broadcast %jit3A_1283 : f32 to vector<1024xf32>
      %broadcast_in_dim3A_1286 = vector.broadcast %jit3A_1284 : f32 to vector<1024xf32>
      %select_n3A_1287 = arith.select %ge3A_1282, %broadcast_in_dim3A_1285, %broadcast_in_dim3A_1286 : vector<1024xi1>, vector<1024xf32>
      %add3A_1288 = arith.addf %add3A_1199, %select_n3A_1287 : vector<1024xf32>
      %mul3A_1289 = arith.constant 16 : i32
      %mul3A_1290 = arith.muli %scan3A_37, %mul3A_1289 : i32
      %add3A_1291 = arith.constant 14 : i32
      %add3A_1292 = arith.addi %mul3A_1290, %add3A_1291 : i32
      %mul3A_1293 = arith.constant 1024 : i32
      %mul3A_1294 = arith.muli %add3A_1292, %mul3A_1293 : i32
      %get3A_1295 = arith.index_cast %mul3A_1294 : i32 to index
      %get3A_1296 = vector.load %arg1[%get3A_1295] : memref<1048576xf32, #tpu.memory_space<vmem>>, vector<1024xf32>
      %ge3A_1297 = arith.constant 1.000000e-01 : f32
      %ge3A_1298 = vector.broadcast %ge3A_1297 : f32 to vector<1024xf32>
      %ge3A_1299 = arith.cmpf oge, %get3A_1296, %ge3A_1298 : vector<1024xf32>
      %jit3A_1300 = arith.constant 1.000000e+00 : f32
      %jit3A_1301 = arith.constant 0.000000e+00 : f32
      %broadcast_in_dim3A_1302 = vector.broadcast %jit3A_1300 : f32 to vector<1024xf32>
      %broadcast_in_dim3A_1303 = vector.broadcast %jit3A_1301 : f32 to vector<1024xf32>
      %select_n3A_1304 = arith.select %ge3A_1299, %broadcast_in_dim3A_1302, %broadcast_in_dim3A_1303 : vector<1024xi1>, vector<1024xf32>
      %add3A_1305 = arith.addf %add3A_1216, %select_n3A_1304 : vector<1024xf32>
      %ge3A_1306 = arith.constant 2.000000e-01 : f32
      %ge3A_1307 = vector.broadcast %ge3A_1306 : f32 to vector<1024xf32>
      %ge3A_1308 = arith.cmpf oge, %get3A_1296, %ge3A_1307 : vector<1024xf32>
      %jit3A_1309 = arith.constant 1.000000e+00 : f32
      %jit3A_1310 = arith.constant 0.000000e+00 : f32
      %broadcast_in_dim3A_1311 = vector.broadcast %jit3A_1309 : f32 to vector<1024xf32>
      %broadcast_in_dim3A_1312 = vector.broadcast %jit3A_1310 : f32 to vector<1024xf32>
      %select_n3A_1313 = arith.select %ge3A_1308, %broadcast_in_dim3A_1311, %broadcast_in_dim3A_1312 : vector<1024xi1>, vector<1024xf32>
      %add3A_1314 = arith.addf %add3A_1225, %select_n3A_1313 : vector<1024xf32>
      %ge3A_1315 = arith.constant 3.000000e-01 : f32
      %ge3A_1316 = vector.broadcast %ge3A_1315 : f32 to vector<1024xf32>
      %ge3A_1317 = arith.cmpf oge, %get3A_1296, %ge3A_1316 : vector<1024xf32>
      %jit3A_1318 = arith.constant 1.000000e+00 : f32
      %jit3A_1319 = arith.constant 0.000000e+00 : f32
      %broadcast_in_dim3A_1320 = vector.broadcast %jit3A_1318 : f32 to vector<1024xf32>
      %broadcast_in_dim3A_1321 = vector.broadcast %jit3A_1319 : f32 to vector<1024xf32>
      %select_n3A_1322 = arith.select %ge3A_1317, %broadcast_in_dim3A_1320, %broadcast_in_dim3A_1321 : vector<1024xi1>, vector<1024xf32>
      %add3A_1323 = arith.addf %add3A_1234, %select_n3A_1322 : vector<1024xf32>
      %ge3A_1324 = arith.constant 4.000000e-01 : f32
      %ge3A_1325 = vector.broadcast %ge3A_1324 : f32 to vector<1024xf32>
      %ge3A_1326 = arith.cmpf oge, %get3A_1296, %ge3A_1325 : vector<1024xf32>
      %jit3A_1327 = arith.constant 1.000000e+00 : f32
      %jit3A_1328 = arith.constant 0.000000e+00 : f32
      %broadcast_in_dim3A_1329 = vector.broadcast %jit3A_1327 : f32 to vector<1024xf32>
      %broadcast_in_dim3A_1330 = vector.broadcast %jit3A_1328 : f32 to vector<1024xf32>
      %select_n3A_1331 = arith.select %ge3A_1326, %broadcast_in_dim3A_1329, %broadcast_in_dim3A_1330 : vector<1024xi1>, vector<1024xf32>
      %add3A_1332 = arith.addf %add3A_1243, %select_n3A_1331 : vector<1024xf32>
      %ge3A_1333 = arith.constant 5.000000e-01 : f32
      %ge3A_1334 = vector.broadcast %ge3A_1333 : f32 to vector<1024xf32>
      %ge3A_1335 = arith.cmpf oge, %get3A_1296, %ge3A_1334 : vector<1024xf32>
      %jit3A_1336 = arith.constant 1.000000e+00 : f32
      %jit3A_1337 = arith.constant 0.000000e+00 : f32
      %broadcast_in_dim3A_1338 = vector.broadcast %jit3A_1336 : f32 to vector<1024xf32>
      %broadcast_in_dim3A_1339 = vector.broadcast %jit3A_1337 : f32 to vector<1024xf32>
      %select_n3A_1340 = arith.select %ge3A_1335, %broadcast_in_dim3A_1338, %broadcast_in_dim3A_1339 : vector<1024xi1>, vector<1024xf32>
      %add3A_1341 = arith.addf %add3A_1252, %select_n3A_1340 : vector<1024xf32>
      %ge3A_1342 = arith.constant 6.000000e-01 : f32
      %ge3A_1343 = vector.broadcast %ge3A_1342 : f32 to vector<1024xf32>
      %ge3A_1344 = arith.cmpf oge, %get3A_1296, %ge3A_1343 : vector<1024xf32>
      %jit3A_1345 = arith.constant 1.000000e+00 : f32
      %jit3A_1346 = arith.constant 0.000000e+00 : f32
      %broadcast_in_dim3A_1347 = vector.broadcast %jit3A_1345 : f32 to vector<1024xf32>
      %broadcast_in_dim3A_1348 = vector.broadcast %jit3A_1346 : f32 to vector<1024xf32>
      %select_n3A_1349 = arith.select %ge3A_1344, %broadcast_in_dim3A_1347, %broadcast_in_dim3A_1348 : vector<1024xi1>, vector<1024xf32>
      %add3A_1350 = arith.addf %add3A_1261, %select_n3A_1349 : vector<1024xf32>
      %ge3A_1351 = arith.constant 0.699999988 : f32
      %ge3A_1352 = vector.broadcast %ge3A_1351 : f32 to vector<1024xf32>
      %ge3A_1353 = arith.cmpf oge, %get3A_1296, %ge3A_1352 : vector<1024xf32>
      %jit3A_1354 = arith.constant 1.000000e+00 : f32
      %jit3A_1355 = arith.constant 0.000000e+00 : f32
      %broadcast_in_dim3A_1356 = vector.broadcast %jit3A_1354 : f32 to vector<1024xf32>
      %broadcast_in_dim3A_1357 = vector.broadcast %jit3A_1355 : f32 to vector<1024xf32>
      %select_n3A_1358 = arith.select %ge3A_1353, %broadcast_in_dim3A_1356, %broadcast_in_dim3A_1357 : vector<1024xi1>, vector<1024xf32>
      %add3A_1359 = arith.addf %add3A_1270, %select_n3A_1358 : vector<1024xf32>
      %ge3A_1360 = arith.constant 8.000000e-01 : f32
      %ge3A_1361 = vector.broadcast %ge3A_1360 : f32 to vector<1024xf32>
      %ge3A_1362 = arith.cmpf oge, %get3A_1296, %ge3A_1361 : vector<1024xf32>
      %jit3A_1363 = arith.constant 1.000000e+00 : f32
      %jit3A_1364 = arith.constant 0.000000e+00 : f32
      %broadcast_in_dim3A_1365 = vector.broadcast %jit3A_1363 : f32 to vector<1024xf32>
      %broadcast_in_dim3A_1366 = vector.broadcast %jit3A_1364 : f32 to vector<1024xf32>
      %select_n3A_1367 = arith.select %ge3A_1362, %broadcast_in_dim3A_1365, %broadcast_in_dim3A_1366 : vector<1024xi1>, vector<1024xf32>
      %add3A_1368 = arith.addf %add3A_1279, %select_n3A_1367 : vector<1024xf32>
      %ge3A_1369 = arith.constant 0.899999976 : f32
      %ge3A_1370 = vector.broadcast %ge3A_1369 : f32 to vector<1024xf32>
      %ge3A_1371 = arith.cmpf oge, %get3A_1296, %ge3A_1370 : vector<1024xf32>
      %jit3A_1372 = arith.constant 1.000000e+00 : f32
      %jit3A_1373 = arith.constant 0.000000e+00 : f32
      %broadcast_in_dim3A_1374 = vector.broadcast %jit3A_1372 : f32 to vector<1024xf32>
      %broadcast_in_dim3A_1375 = vector.broadcast %jit3A_1373 : f32 to vector<1024xf32>
      %select_n3A_1376 = arith.select %ge3A_1371, %broadcast_in_dim3A_1374, %broadcast_in_dim3A_1375 : vector<1024xi1>, vector<1024xf32>
      %add3A_1377 = arith.addf %add3A_1288, %select_n3A_1376 : vector<1024xf32>
      %mul3A_1378 = arith.constant 16 : i32
      %mul3A_1379 = arith.muli %scan3A_37, %mul3A_1378 : i32
      %add3A_1380 = arith.constant 15 : i32
      %add3A_1381 = arith.addi %mul3A_1379, %add3A_1380 : i32
      %mul3A_1382 = arith.constant 1024 : i32
      %mul3A_1383 = arith.muli %add3A_1381, %mul3A_1382 : i32
      %get3A_1384 = arith.index_cast %mul3A_1383 : i32 to index
      %get3A_1385 = vector.load %arg1[%get3A_1384] : memref<1048576xf32, #tpu.memory_space<vmem>>, vector<1024xf32>
      %ge3A_1386 = arith.constant 1.000000e-01 : f32
      %ge3A_1387 = vector.broadcast %ge3A_1386 : f32 to vector<1024xf32>
      %ge3A_1388 = arith.cmpf oge, %get3A_1385, %ge3A_1387 : vector<1024xf32>
      %jit3A_1389 = arith.constant 1.000000e+00 : f32
      %jit3A_1390 = arith.constant 0.000000e+00 : f32
      %broadcast_in_dim3A_1391 = vector.broadcast %jit3A_1389 : f32 to vector<1024xf32>
      %broadcast_in_dim3A_1392 = vector.broadcast %jit3A_1390 : f32 to vector<1024xf32>
      %select_n3A_1393 = arith.select %ge3A_1388, %broadcast_in_dim3A_1391, %broadcast_in_dim3A_1392 : vector<1024xi1>, vector<1024xf32>
      %add3A_1394 = arith.addf %add3A_1305, %select_n3A_1393 : vector<1024xf32>
      %ge3A_1395 = arith.constant 2.000000e-01 : f32
      %ge3A_1396 = vector.broadcast %ge3A_1395 : f32 to vector<1024xf32>
      %ge3A_1397 = arith.cmpf oge, %get3A_1385, %ge3A_1396 : vector<1024xf32>
      %jit3A_1398 = arith.constant 1.000000e+00 : f32
      %jit3A_1399 = arith.constant 0.000000e+00 : f32
      %broadcast_in_dim3A_1400 = vector.broadcast %jit3A_1398 : f32 to vector<1024xf32>
      %broadcast_in_dim3A_1401 = vector.broadcast %jit3A_1399 : f32 to vector<1024xf32>
      %select_n3A_1402 = arith.select %ge3A_1397, %broadcast_in_dim3A_1400, %broadcast_in_dim3A_1401 : vector<1024xi1>, vector<1024xf32>
      %add3A_1403 = arith.addf %add3A_1314, %select_n3A_1402 : vector<1024xf32>
      %ge3A_1404 = arith.constant 3.000000e-01 : f32
      %ge3A_1405 = vector.broadcast %ge3A_1404 : f32 to vector<1024xf32>
      %ge3A_1406 = arith.cmpf oge, %get3A_1385, %ge3A_1405 : vector<1024xf32>
      %jit3A_1407 = arith.constant 1.000000e+00 : f32
      %jit3A_1408 = arith.constant 0.000000e+00 : f32
      %broadcast_in_dim3A_1409 = vector.broadcast %jit3A_1407 : f32 to vector<1024xf32>
      %broadcast_in_dim3A_1410 = vector.broadcast %jit3A_1408 : f32 to vector<1024xf32>
      %select_n3A_1411 = arith.select %ge3A_1406, %broadcast_in_dim3A_1409, %broadcast_in_dim3A_1410 : vector<1024xi1>, vector<1024xf32>
      %add3A_1412 = arith.addf %add3A_1323, %select_n3A_1411 : vector<1024xf32>
      %ge3A_1413 = arith.constant 4.000000e-01 : f32
      %ge3A_1414 = vector.broadcast %ge3A_1413 : f32 to vector<1024xf32>
      %ge3A_1415 = arith.cmpf oge, %get3A_1385, %ge3A_1414 : vector<1024xf32>
      %jit3A_1416 = arith.constant 1.000000e+00 : f32
      %jit3A_1417 = arith.constant 0.000000e+00 : f32
      %broadcast_in_dim3A_1418 = vector.broadcast %jit3A_1416 : f32 to vector<1024xf32>
      %broadcast_in_dim3A_1419 = vector.broadcast %jit3A_1417 : f32 to vector<1024xf32>
      %select_n3A_1420 = arith.select %ge3A_1415, %broadcast_in_dim3A_1418, %broadcast_in_dim3A_1419 : vector<1024xi1>, vector<1024xf32>
      %add3A_1421 = arith.addf %add3A_1332, %select_n3A_1420 : vector<1024xf32>
      %ge3A_1422 = arith.constant 5.000000e-01 : f32
      %ge3A_1423 = vector.broadcast %ge3A_1422 : f32 to vector<1024xf32>
      %ge3A_1424 = arith.cmpf oge, %get3A_1385, %ge3A_1423 : vector<1024xf32>
      %jit3A_1425 = arith.constant 1.000000e+00 : f32
      %jit3A_1426 = arith.constant 0.000000e+00 : f32
      %broadcast_in_dim3A_1427 = vector.broadcast %jit3A_1425 : f32 to vector<1024xf32>
      %broadcast_in_dim3A_1428 = vector.broadcast %jit3A_1426 : f32 to vector<1024xf32>
      %select_n3A_1429 = arith.select %ge3A_1424, %broadcast_in_dim3A_1427, %broadcast_in_dim3A_1428 : vector<1024xi1>, vector<1024xf32>
      %add3A_1430 = arith.addf %add3A_1341, %select_n3A_1429 : vector<1024xf32>
      %ge3A_1431 = arith.constant 6.000000e-01 : f32
      %ge3A_1432 = vector.broadcast %ge3A_1431 : f32 to vector<1024xf32>
      %ge3A_1433 = arith.cmpf oge, %get3A_1385, %ge3A_1432 : vector<1024xf32>
      %jit3A_1434 = arith.constant 1.000000e+00 : f32
      %jit3A_1435 = arith.constant 0.000000e+00 : f32
      %broadcast_in_dim3A_1436 = vector.broadcast %jit3A_1434 : f32 to vector<1024xf32>
      %broadcast_in_dim3A_1437 = vector.broadcast %jit3A_1435 : f32 to vector<1024xf32>
      %select_n3A_1438 = arith.select %ge3A_1433, %broadcast_in_dim3A_1436, %broadcast_in_dim3A_1437 : vector<1024xi1>, vector<1024xf32>
      %add3A_1439 = arith.addf %add3A_1350, %select_n3A_1438 : vector<1024xf32>
      %ge3A_1440 = arith.constant 0.699999988 : f32
      %ge3A_1441 = vector.broadcast %ge3A_1440 : f32 to vector<1024xf32>
      %ge3A_1442 = arith.cmpf oge, %get3A_1385, %ge3A_1441 : vector<1024xf32>
      %jit3A_1443 = arith.constant 1.000000e+00 : f32
      %jit3A_1444 = arith.constant 0.000000e+00 : f32
      %broadcast_in_dim3A_1445 = vector.broadcast %jit3A_1443 : f32 to vector<1024xf32>
      %broadcast_in_dim3A_1446 = vector.broadcast %jit3A_1444 : f32 to vector<1024xf32>
      %select_n3A_1447 = arith.select %ge3A_1442, %broadcast_in_dim3A_1445, %broadcast_in_dim3A_1446 : vector<1024xi1>, vector<1024xf32>
      %add3A_1448 = arith.addf %add3A_1359, %select_n3A_1447 : vector<1024xf32>
      %ge3A_1449 = arith.constant 8.000000e-01 : f32
      %ge3A_1450 = vector.broadcast %ge3A_1449 : f32 to vector<1024xf32>
      %ge3A_1451 = arith.cmpf oge, %get3A_1385, %ge3A_1450 : vector<1024xf32>
      %jit3A_1452 = arith.constant 1.000000e+00 : f32
      %jit3A_1453 = arith.constant 0.000000e+00 : f32
      %broadcast_in_dim3A_1454 = vector.broadcast %jit3A_1452 : f32 to vector<1024xf32>
      %broadcast_in_dim3A_1455 = vector.broadcast %jit3A_1453 : f32 to vector<1024xf32>
      %select_n3A_1456 = arith.select %ge3A_1451, %broadcast_in_dim3A_1454, %broadcast_in_dim3A_1455 : vector<1024xi1>, vector<1024xf32>
      %add3A_1457 = arith.addf %add3A_1368, %select_n3A_1456 : vector<1024xf32>
      %ge3A_1458 = arith.constant 0.899999976 : f32
      %ge3A_1459 = vector.broadcast %ge3A_1458 : f32 to vector<1024xf32>
      %ge3A_1460 = arith.cmpf oge, %get3A_1385, %ge3A_1459 : vector<1024xf32>
      %jit3A_1461 = arith.constant 1.000000e+00 : f32
      %jit3A_1462 = arith.constant 0.000000e+00 : f32
      %broadcast_in_dim3A_1463 = vector.broadcast %jit3A_1461 : f32 to vector<1024xf32>
      %broadcast_in_dim3A_1464 = vector.broadcast %jit3A_1462 : f32 to vector<1024xf32>
      %select_n3A_1465 = arith.select %ge3A_1460, %broadcast_in_dim3A_1463, %broadcast_in_dim3A_1464 : vector<1024xi1>, vector<1024xf32>
      %add3A_1466 = arith.addf %add3A_1377, %select_n3A_1465 : vector<1024xf32>
      scf.yield %add3A_1394, %add3A_1403, %add3A_1412, %add3A_1421, %add3A_1430, %add3A_1439, %add3A_1448, %add3A_1457, %add3A_1466 : vector<1024xf32>, vector<1024xf32>, vector<1024xf32>, vector<1024xf32>, vector<1024xf32>, vector<1024xf32>, vector<1024xf32>, vector<1024xf32>, vector<1024xf32>
    }
    %scan3A_23 = arith.constant 64 : i32
    %get3A = arith.constant 0 : index
    %get3A_24 = arith.constant 0 : index
    %get3A_25 = vector.load %arg2[%get3A, %get3A_24] : memref<9x1024xf32, #tpu.memory_space<vmem>>, vector<9x1024xf32>
    %stack3A = vector.shape_cast %scan3A_22#0 : vector<1024xf32> to vector<1x1024xf32>
    %stack3A_26 = vector.shape_cast %scan3A_22#1 : vector<1024xf32> to vector<1x1024xf32>
    %stack3A_27 = vector.shape_cast %scan3A_22#2 : vector<1024xf32> to vector<1x1024xf32>
    %stack3A_28 = vector.shape_cast %scan3A_22#3 : vector<1024xf32> to vector<1x1024xf32>
    %stack3A_29 = vector.shape_cast %scan3A_22#4 : vector<1024xf32> to vector<1x1024xf32>
    %stack3A_30 = vector.shape_cast %scan3A_22#5 : vector<1024xf32> to vector<1x1024xf32>
    %stack3A_31 = vector.shape_cast %scan3A_22#6 : vector<1024xf32> to vector<1x1024xf32>
    %stack3A_32 = vector.shape_cast %scan3A_22#7 : vector<1024xf32> to vector<1x1024xf32>
    %stack3A_33 = vector.shape_cast %scan3A_22#8 : vector<1024xf32> to vector<1x1024xf32>
    %stack3A_34 = tpu.concatenate %stack3A, %stack3A_26, %stack3A_27, %stack3A_28, %stack3A_29, %stack3A_30, %stack3A_31, %stack3A_32, %stack3A_33 in 0 : vector<1x1024xf32>, vector<1x1024xf32>, vector<1x1024xf32>, vector<1x1024xf32>, vector<1x1024xf32>, vector<1x1024xf32>, vector<1x1024xf32>, vector<1x1024xf32>, vector<1x1024xf32> -> vector<9x1024xf32>
    %add3A = arith.addf %get3A_25, %stack3A_34 : vector<9x1024xf32>
    %swap3A = arith.constant 0 : index
    %swap3A_35 = arith.constant 0 : index
    %swap3A_36 = vector.load %arg2[%swap3A, %swap3A_35] : memref<9x1024xf32, #tpu.memory_space<vmem>>, vector<9x1024xf32>
    tpu.vector_store %arg2[%swap3A, %swap3A_35], %add3A {strides = array<i32>} : memref<9x1024xf32, #tpu.memory_space<vmem>>, vector<9x1024xf32>,
    return
  }
  func.func @transform_0(%arg0: i32) -> i32 {
    %add3A = arith.constant 20 : i32
    %add3A_0 = arith.addi %arg0, %add3A : i32
    %c0_i32 = arith.constant 0 : i32
    return %add3A_0 : i32
  }
  func.func @transform_1(%arg0: i32) -> (i32, i32) {
    %c0_i32 = arith.constant 0 : i32
    %c0_i32_0 = arith.constant 0 : i32
    %c0_i32_1 = arith.constant 0 : i32
    return %c0_i32, %c0_i32_0 : i32, i32
  }
}

</mosaic_0001>

<sc_bundles>
// kernel: kernel.4.cloned.1.call-start
scs
__scs_entry_jumppad:
0x0: {  	(pc) =	sbr.rel $0x88, $3  }
0x1: {  	(tag) =	ssettag $0x0;
	lr =	simm.s32 $0x1  }
0x2: {  	[smem:$0x3FA0] =	sst lr;
	_ =	strace $0xD0000000  }
0x3: {  	_ = 	snop  }
0x4: {  	_ = 	snop  }
0x5: {  	_ = 	snop  }
0x6: {  	_ = 	snop  }
0x7: {  	_ = 	snop  }
__scs_overlays_trampoline_lowered:
0x8: {  	[smem:$0x3FAF] =	sst s0  }
0x9: {  	[smem:$0x3FB0] =	sst s1  }
0xa: {  	[smem:$0x3FB1] =	sst s2  }
0xb: {  	[smem:$0x3FB2] =	sst s3  }
0xc: {  	[smem:$0x3FB3] =	sst s4  }
0xd: {  	[smem:$0x3FB4] =	sst s5  }
0xe: {  	[smem:$0x3FB5] =	sst s6  }
0xf: {  	[smem:$0x3FB6] =	sst s7  }
0x10: {  	[smem:$0x3FB7] =	sst s8  }
0x11: {  	[smem:$0x3FB8] =	sst s9;
	s0 =	simm.s32 @!p0 $0x0  }
0x12: {  	s1 =	sld [smem:$0x3F9E];
	s0 =	simm.s32 @p0 $0x1  }
0x13: {  	[smem:$0x3FB9] =	sst s0;
	s0 =	simm.s32 @!p1 $0x0  }
0x14: {  	s2 =	sld [smem:$0x3F9D];
	s0 =	simm.s32 @p1 $0x1  }
0x15: {  	[smem:$0x3FBA] =	sst s0;
	s0 =	simm.s32 @!p2 $0x0  }
0x16: {  	s3 =	sld [smem:$0x3FDB];
	s0 =	simm.s32 @p2 $0x1  }
0x17: {  	s4 =	simm.s32 $0x1BF5;
	[smem:$0x3FBC] =	sst s0  }
0x18: {  	s0 =	sld [smem:$0x3F9F];
	_ =	swait.ge [sflag:s4], $0x0  }
0x19: {  	s7 =	sld [smem:$0x3FA0]  }
0x1a: {  	s8 =	sadd.s32 $0xFFFFE003, lr  }
0x1b: {  	s9 =	sadd.s32 $0xFFFFFEF7, lr;
	s5 =	simm.s32 $0xFFFFFFFF;
	p2 =	slt.u32 s8, $0xFFFFF086  }
0x1c: {  	p1 =	slt.u32 s9, $0xF7A;
	s5 =	simm.s32 @!p2 $0x0  }
0x1d: {  	s5 =	simm.s32 @p1 $0x1;
	p0 =	seq.s32 s7, s2  }
0x1e: {  	s7 =	smul.u32 @!p0 $0xF7A, s2;
	p2 =	seq.s32 @!p0 s5, $0x0  }
0x1f: {  	s9 =	smul.u32 $0xF7A, s1;
	s8 =	simm.s32 @!p0 $0x1BF5;
	p2 =	por !p2, p0  }
0x20: {  	[sflag:s8] =	ssyncset.s32 @!p0 $0xFFFFF086;
	s6 =	sadd.s32 @!p0 s3, s7;
	s7 =	simm.s32 @!p0 $0x108  }
0x21: {  	s3 =	sadd.s32 s3, s9;
	s6 =	sadd.s32 @!p0 $0x88, s6;
	s7 =	simm.s32 @p2 $0x1082  }
0x22: {  	[simem:s7], [sflag:s8] =	dma.local @!p0 [hbm:s6], $0xF7A  }
0x23: {  	s9 =	sor.u32 $0xD0000000, s2;
	s6 =	simm.s32 $0x108;
	_ =	swait.ge @!p0 [sflag:s8], $0x0  }
0x24: {  	s3 =	sadd.s32 $0x88, s3;
	s6 =	simm.s32 @!p1 $0x1082;
	[sflag:s4] =	ssyncset.s32 $0xFFFFF086  }
0x25: {  	[simem:s6], [sflag:s4] =	dma.local [hbm:s3], $0xF7A  }
0x26: {  	[smem:$0x3FA0] =	sst s1;
	(tag) =	ssettag s2;
	_ =	strace s9  }
0x27: {  	s1 =	sld [smem:$0x3FB0]  }
0x28: {  	s2 =	sld [smem:$0x3FB1]  }
0x29: {  	s4 =	sld [smem:$0x3FB3]  }
0x2a: {  	p0 =	seq.s32 s5, $0x0;
	s5 =	sld [smem:$0x3FB4]  }
0x2b: {  	s6 =	sld [smem:$0x3FB5]  }
0x2c: {  	s7 =	sld [smem:$0x3FB6]  }
0x2d: {  	s3 =	simm.s32 $0x108;
	s8 =	sld [smem:$0x3FB7]  }
0x2e: {  	s3 =	simm.s32 @!p0 $0x1082;
	s9 =	sld [smem:$0x3FB8]  }
0x2f: {  	lr =	sadd.s32 s0, s3;
	s0 =	sld [smem:$0x3FAF]  }
0x30: {  	s3 =	sld [smem:$0x3FB2]  }
0x31: {  	[smem:$0x3FBB] =	sst s10  }
0x32: {  	s10 =	sld [smem:$0x3FB9];
	_ =	sdelay $0x3  }
0x33: {  	p0 =	seq.s32 s10, $0x1;
	s10 =	sld [smem:$0x3FBB];
	_ =	sdelay $0x3  }
0x34: {  	[smem:$0x3FBB] =	sst s10  }
0x35: {  	s10 =	sld [smem:$0x3FBA];
	_ =	sdelay $0x3  }
0x36: {  	p1 =	seq.s32 s10, $0x1;
	s10 =	sld [smem:$0x3FBB];
	_ =	sdelay $0x3  }
0x37: {  	[smem:$0x3FBB] =	sst s10  }
0x38: {  	s10 =	sld [smem:$0x3FBC]  }
0x39: {  	_ = 	snop;
	(pc) =	sbr.ind lr, $3  }
0x3a: {  	_ = 	snop  }
0x3b: {  	_ = 	snop  }
0x3c: {  	p2 =	seq.s32 s10, $0x1;
	s10 =	sld [smem:$0x3FBB]  }
0x3d: {  	_ =	shalt  }
0x3e: {  	_ =	shalt  }
0x3f: {  	_ =	shalt  }
0x40: {  	_ =	shalt  }
0x41: {  	_ =	shalt  }
0x42: {  	_ =	shalt  }
0x43: {  	_ =	shalt  }
0x44: {  	_ =	shalt  }
0x45: {  	_ =	shalt  }
0x46: {  	_ =	shalt  }
0x47: {  	_ =	shalt  }
0x48: {  	_ =	shalt  }
0x49: {  	_ =	shalt  }
0x4a: {  	_ =	shalt  }
0x4b: {  	_ =	shalt  }
0x4c: {  	_ =	shalt  }
0x4d: {  	_ =	shalt  }
0x4e: {  	_ =	shalt  }
0x4f: {  	_ =	shalt  }
0x50: {  	_ =	shalt  }
0x51: {  	_ =	shalt  }
0x52: {  	_ =	shalt  }
0x53: {  	_ =	shalt  }
0x54: {  	_ =	shalt  }
0x55: {  	_ =	shalt  }
0x56: {  	_ =	shalt  }
0x57: {  	_ =	shalt  }
0x58: {  	_ =	shalt  }
0x59: {  	_ =	shalt  }
0x5a: {  	_ =	shalt  }
0x5b: {  	_ =	shalt  }
0x5c: {  	_ =	shalt  }
0x5d: {  	_ =	shalt  }
0x5e: {  	_ =	shalt  }
0x5f: {  	_ =	shalt  }
0x60: {  	_ =	shalt  }
0x61: {  	_ =	shalt  }
0x62: {  	_ =	shalt  }
0x63: {  	_ =	shalt  }
0x64: {  	_ =	shalt  }
0x65: {  	_ =	shalt  }
0x66: {  	_ =	shalt  }
0x67: {  	_ =	shalt  }
0x68: {  	_ =	shalt  }
0x69: {  	_ =	shalt  }
0x6a: {  	_ =	shalt  }
0x6b: {  	_ =	shalt  }
0x6c: {  	_ =	shalt  }
0x6d: {  	_ =	shalt  }
0x6e: {  	_ =	shalt  }
0x6f: {  	_ =	shalt  }
0x70: {  	_ =	shalt  }
0x71: {  	_ =	shalt  }
0x72: {  	_ =	shalt  }
0x73: {  	_ =	shalt  }
0x74: {  	_ =	shalt  }
0x75: {  	_ =	shalt  }
0x76: {  	_ =	shalt  }
0x77: {  	_ =	shalt  }
0x78: {  	_ =	shalt  }
0x79: {  	_ =	shalt  }
0x7a: {  	_ =	shalt  }
0x7b: {  	_ =	shalt  }
0x7c: {  	_ =	shalt  }
0x7d: {  	_ =	shalt  }
0x7e: {  	_ =	shalt  }
0x7f: {  	_ =	shalt  }
0x80: {  	_ =	shalt  }
0x81: {  	_ =	shalt  }
0x82: {  	_ =	shalt  }
0x83: {  	_ =	shalt  }
0x84: {  	_ =	shalt  }
0x85: {  	_ =	shalt  }
0x86: {  	_ =	shalt  }
0x87: {  	_ =	shalt  }
.Lfunc_end0:
.L_simem_size_0:
called_computation_lowered:
.L_overlay_start_0:
0x88: {  	s2 =	sld [smem:$0x3FD9]  }
0x89: {  	s3 =	sld [smem:$0x3FFE];
	_ =	sdelay $0x1  }
0x8a: {  	s1 =	srdreg.scid  }
0x8b: {  	s0 =	sand.u32 $0x1, s1  }
0x8c: {  	s17 =	sshll.u32 s0, $0xA;
	s2 =	sadd.s32 s3, s2  }
0x8d: {  	s2 =	sadd.s32 s2, s17  }
0x8e: {  	[smem:$0x3FC7] =	sst s2  }
0x8f: {  	_ = 	snop  }
0x90: {  	s2 =	sld [smem:$0x3FC9];
	(tm) =	ssettm $0x1  }
0x91: {  	s18 =	sld [smem:$0x3FFB];
	_ =	sdelay $0x3  }
0x92: {  	_ =	strace s18  }
0x93: {  	s3 =	sld [smem:$0x3FFC];
	_ =	sdelay $0x3  }
0x94: {  	_ =	strace s3  }
0x95: {  	s3 =	sld [smem:$0x3FFD];
	_ =	sdelay $0x3  }
0x96: {  	_ =	strace s3  }
0x97: {  	_ =	strace $0x8FFFFFFF  }
0x98: {  	s19 =	sld [smem:$0x3FDB];
	_ =	sdelay $0x1  }
0x99: {  	s4 =	simm.s32 $_scs_section_size  }
0x9a: {  	s5 =	simm.s32 $_size__tile_overlayer_lowered;
	s6 =	simm.s32 $_tile_overlayer_lowered  }
0x9b: {  	s22 =	simm.s32 $0x1BFF;
	s21 =	sshll.u32 s6, $0x1;
	s3 =	sadd.s32 s4, s19  }
0x9c: {  	s7 =	simm.s32 $0x0;
	s20 =	sshll.u32 s5, $0x1;
	s5 =	sadd.s32 s21, s3  }
0x9d: {  	[timem:s7], [sflag:s22] =	dma.local [hbm:s5], s20  }
0x9e: {  	_ =	swait.ge [sflag:s22], s20  }
0x9f: {  	s4 =	ssub.s32 $0x0, s20;
	[sflag:s22] =	ssyncset.done $0x0  }
0xa0: {  	[sflag:s22] =	ssyncadd.s32 s4;
	_ =	sdelay $0x1  }
0xa1: {  	s23 =	simm.s32 $0x1B8B  }
0xa2: {  	_ =	swait.ge [sflag:s23], $0x1  }
0xa3: {  	[sflag:s23] =	ssyncset.done $0x0  }
0xa4: {  	s25 =	simm.s32 $0x1B8E;
	s24 =	sld [smem:$0x3FFE];
	[sflag:s23] =	ssyncadd.s32 $0xFFFFFFFF  }
0xa5: {  	s26 =	simm.s32 $execute0_lowered;
	[smem:$0x3FD2] =	sst s25  }
0xa6: {  	s5 =	sshll.u32 s26, $0x1;
	_ =	strace $0x80000046;
	[dreg:$0x1] =	wrdreg $0xFFFFFFFF  }
0xa7: {  	s28 =	simm.s32 $_size_execute0_lowered;
	s3 =	sadd.s32 s3, s5;
	[dreg:$0x0] =	wrdreg $0x0  }
0xa8: {  	s5 =	sshll.u32 s28, $0x1;
	[dreg:$0x2] =	wrdreg s3  }
0xa9: {  	[dreg:$0x3] =	wrdreg s5  }
0xaa: {  	[dreg:$0x4] =	wrdreg $0xC0  }
0xab: {  	_ =	task [dreg:s7], $0x5FFFF  }
0xac: {  	[dreg:$0x1] =	wrdreg $0xFFFFFFFF  }
0xad: {  	[dreg:$0x0] =	wrdreg $0x60  }
0xae: {  	[dreg:$0x2] =	wrdreg s2  }
0xaf: {  	[dreg:$0x3] =	wrdreg s24  }
0xb0: {  	[dreg:$0x4] =	wrdreg $0x9  }
0xb1: {  	_ =	task.clear_ibuf [dreg:s7], $0x5FFFF;
	_ =	strace $0x90000046  }
0xb2: {  	s29 =	simm.s32 $0x9;
	_ =	strace $0x80000048  }
0xb3: {  	_ =	swait.ge [sflag:s29], $0x1  }
0xb4: {  	[sflag:s29] =	ssyncadd.s32 $0xFFFFFFFF  }
0xb5: {  	_ =	strace $0x90000048  }
0xb6: {  	_ =	sfence  }
0xb7: {  	s30 =	sld [smem:$0x0];
	_ =	sdelay $0x2  }
0xb8: {  	s31 =	sshll.u32 s1, $0xD;
	s1 =	sshrl.u32 s1, $0x2  }
0xb9: {  	s3 =	sand.u32 $0x4000, s31;
	s1 =	sadd.s32 s1, s30  }
0xba: {  	s0 =	sor.u32 s3, s0;
	s1 =	sshll.u32 s1, $0x11  }
0xbb: {  	s0 =	sor.u32 s1, s0  }
0xbc: {  	s0 =	sadd.s32 $0x8F2B, s0  }
0xbd: {  	[sflag:s0] =	ssyncadd.remote.s32 $0x1  }
0xbe: {  	_ =	sfence.sel $0xFFFF  }
0xbf: {  	[dreg:$0x0] =	wrdreg $0xFFFFFFFF;
	(pc) =	sbr.abs _section_cstart, $3  }
0xc0: {  	[dreg:$0x1] =	wrdreg $0xFFFFFFFF  }
0xc1: {  	_ =	task.clear_ibuf [dreg:s7], $0x2FFFF;
	_ =	strace $0x9FFFFFFF  }
0xc2: {  	(tm) =	ssettm $0x7FFFFFFF  }
0xc3: {  	_ =	shalt  }
tec
execute0_lowered:
.L_overlay_start_1:
0x0: {  	(tag) =	ssettag $0x1  }
0x1: {  	s1 =	srdreg.scid  }
0x2: {  	s0 =	stileid.u32;
	s2 =	rddreg [dreg:$0x0]  }
0x3: {  	s8 =	rddreg [dreg:$0x1];
	s3 =	simm.s32 $0x0;
	s12 =	simm.s32 $0x10000  }
0x4: {  	s13 =	simm.s32 $0x2;
	s4 =	sand.u32 $0x1, s1;
	s31 =	sshll.u32 s0, $0x1  }
0x5: {  	s14 =	simm.s32 $0x3;
	s15 =	simm.s32 $0x0;
	s7 =	sor.u32 s4, s31  }
0x6: {  	s1 =	rddreg [dreg:$0x2];
	s4 =	ssub.s32 $0x2, s4;
	s9 =	smul.u32 $0xA0000, s7  }
.Ltmp0:
0x7: {  	[smem:$0x7FF] =	sst s3;
	s5 =	sshrl.u32 s4, $0x1;
	(pc) =	sbr.rel .LBB2_1-.Ltmp0, $4  }
0x8: {  	_ =	strace $0x80000047;
	s11 =	sshll.u32 s7, $0x5;
	s10 =	ssub.s32 s4, s5  }
0x9: {  	s8 =	sadd.s32 s8, s11;
	s11 =	simm.s32 $0x1;
	s6 =	sshrl.u32 s9, $0x3  }
0xa: {  	s7 =	sor.u32 $0x18000, s9;
	s4 =	sadd.s32 s2, s6;
	s6 =	sor.u32 $0x10000, s9  }
0xb: {  	v0 =	vimm.f32 $0.0e+00;
	v1 =	vlaneseq.u32;
	v2 =	vimm.f32 $1.000000000e+00;
	s9 =	smax.u32 s10, $0x1;
	s10 =	simm.s32 $0x8000;
	s5 =	sadd.s32 $0x1000, s4  }
.LBB2_8:
0xc: {  	s15 =	sadd.s32 $0x1, s15  }
0xd: {  	p0 =	sne.s32 s15, s9  }
.Ltmp1:
0xe: {  	_ = 	snop;
	(pc) =	sbr.rel @!p0 .LBB2_9-.Ltmp1, $4  }
0xf: {  	[hbm4b:s8+s3] =	stream.linear.scatter [tilespmem:s12], [sflag:$0x3], $0x100, $0x38;
	[tilespmem:$0x10100] =	vst v63  }
0x10: {  	_ =	swait.ge [sflag:s14], $0x100  }
0x11: {  	[sflag:s14] =	ssyncset.done $0x0  }
0x12: {  	[sflag:s14] =	ssyncadd.s32 $0xFFFFFF00  }
.LBB2_1:
0x13: {  	[tilespmem:s3], [sflag:$0x1] =	stream.linear.gather [hbm4b:s4+s3], $0x8000, $0x38;
	[tilespmem:$0x10100] =	vst v63  }
0x14: {  	_ = 	snop  }
0x15: {  	[tilespmem:s10], [sflag:$0x2] =	stream.linear.gather [hbm4b:s5+s3], $0x8000, $0x38;
	[tilespmem:$0x10100] =	vst v63  }
0x16: {  	[tilespmem:$0x10000] =	vst v0  }
0x17: {  	[tilespmem:$0x10010] =	vst v0  }
0x18: {  	[tilespmem:$0x10020] =	vst v0  }
0x19: {  	[tilespmem:$0x10030] =	vst v0  }
0x1a: {  	[tilespmem:$0x10040] =	vst v0  }
0x1b: {  	[tilespmem:$0x10050] =	vst v0  }
0x1c: {  	[tilespmem:$0x10060] =	vst v0  }
0x1d: {  	[tilespmem:$0x10070] =	vst v0  }
0x1e: {  	[tilespmem:$0x10080] =	vst v0  }
0x1f: {  	[tilespmem:$0x10090] =	vst v0  }
0x20: {  	[tilespmem:$0x100A0] =	vst v0  }
0x21: {  	[tilespmem:$0x100B0] =	vst v0  }
0x22: {  	[tilespmem:$0x100C0] =	vst v0  }
0x23: {  	[tilespmem:$0x100D0] =	vst v0  }
0x24: {  	[tilespmem:$0x100E0] =	vst v0  }
0x25: {  	s16 =	simm.s32 $0x0;
	[tilespmem:$0x100F0] =	vst v0  }
.LBB2_2:
0x26: {  	_ =	swait.ge [sflag:s11], $0x8000  }
0x27: {  	[sflag:s11] =	ssyncset.done $0x0  }
0x28: {  	s17 =	simm.s32 $0x40;
	[sflag:s11] =	ssyncadd.s32 $0xFFFF8000  }
0x29: {  	v3 =	vld [tilespmem:s17+$0x30]  }
0x2a: {  	v4 =	vld [tilespmem:s17+$0xFFFFFFD0]  }
0x2b: {  	v5 =	vld [tilespmem:s17+$0xFFFFFFE0]  }
0x2c: {  	v6 =	vld [tilespmem:s17+$0xFFFFFFF0]  }
0x2d: {  	v7 =	vld [tilespmem:s17+$0x0]  }
0x2e: {  	v8 =	vld [tilespmem:s17+$0x10]  }
0x2f: {  	v3 =	vmul.f32 $1.000000000e+01, v3  }
0x30: {  	v9 =	vld [tilespmem:s17+$0x20];
	v4 =	vmul.f32 $1.000000000e+01, v4  }
0x31: {  	v10 =	vld [tilespmem:s17+$0xFFFFFFC0];
	v5 =	vmul.f32 $1.000000000e+01, v5;
	v3 =	vtrunc.f32 v3  }
0x32: {  	v6 =	vmul.f32 $1.000000000e+01, v6;
	v3 =	vcvt.f32.s32 v3  }
0x33: {  	v7 =	vmul.f32 $1.000000000e+01, v7;
	v12 =	vmul.f32 $1.000000000e+01, v8  }
0x34: {  	v11 =	vtrunc.f32 v4;
	v4 =	vtrunc.f32 v5;
	v3 =	vshll.u32 v3, $0x4  }
0x35: {  	v5 =	vtrunc.f32 v6;
	v6 =	vmul.f32 $1.000000000e+01, v9;
	v3 =	vor.u32 v1, v3  }
0x36: {  	v9 =	vmul.f32 $1.000000000e+01, v10;
	v8 =	vtrunc.f32 v7  }
0x37: {  	v7 =	vtrunc.f32 v12;
	v6 =	vtrunc.f32 v6  }
0x38: {  	s18 =	simm.s32 $0xC0;
	s17 =	simm.s32 $0x0;
	v10 =	vtrunc.f32 v9;
	v9 =	vcvt.f32.s32 v11  }
.LBB2_3:
0x39: {  	v11 =	vld [tilespmem:s18+$0x30];
	v10 =	vcvt.f32.s32 v10;
	v4 =	vcvt.f32.s32 v4  }
0x3a: {  	s17 =	sadd.s32 $0x80, s17;
	v5 =	vcvt.f32.s32 v5;
	v8 =	vcvt.f32.s32 v8;
	v9 =	vshll.u32 v9, $0x4;
	[tilespmem:v3+s12+$0x0] =	vst.idx.add.f32.msk $0xffff, v2  }
0x3b: {  	v7 =	vcvt.f32.s32 v7;
	v6 =	vcvt.f32.s32 v6;
	p0 =	slt.u32 s17, $0x7F80;
	v3 =	vld [tilespmem:s18+$0xFFFFFFD0];
	v10 =	vshll.u32 v10, $0x4  }
0x3c: {  	v4 =	vshll.u32 v4, $0x4;
	v5 =	vshll.u32 v5, $0x4;
	v8 =	vshll.u32 v8, $0x4;
	v12 =	vld [tilespmem:s18+$0xFFFFFFE0]  }
0x3d: {  	v7 =	vshll.u32 v7, $0x4;
	v6 =	vshll.u32 v6, $0x4;
	v10 =	vor.u32 v1, v10;
	v13 =	vld [tilespmem:s18+$0xFFFFFFF0]  }
0x3e: {  	v9 =	vor.u32 v1, v9;
	v15 =	vor.u32 v1, v4;
	v16 =	vor.u32 v1, v5;
	v14 =	vld [tilespmem:s18+$0x0]  }
0x3f: {  	v17 =	vor.u32 v1, v7;
	v4 =	vmul.f32 $1.000000000e+01, v11;
	v11 =	vor.u32 v1, v8;
	v5 =	vld [tilespmem:s18+$0x10]  }
0x40: {  	v18 =	vor.u32 v1, v6;
	v3 =	vmul.f32 $1.000000000e+01, v3;
	v7 =	vld [tilespmem:s18+$0x20]  }
0x41: {  	v4 =	vtrunc.f32 v4;
	v6 =	vld [tilespmem:s18+$0xFFFFFFC0];
	v8 =	vmul.f32 $1.000000000e+01, v12  }
0x42: {  	v12 =	vmul.f32 $1.000000000e+01, v13;
	v13 =	vcvt.f32.s32 v4;
	[tilespmem:v10+s12+$0x0] =	vst.idx.add.f32.msk $0xffff, v2  }
0x43: {  	v19 =	vtrunc.f32 v3;
	v10 =	vmul.f32 $1.000000000e+01, v14;
	[tilespmem:v9+s12+$0x0] =	vst.idx.add.f32.msk $0xffff, v2  }
.Ltmp2:
0x44: {  	v4 =	vtrunc.f32 v8;
	v9 =	vmul.f32 $1.000000000e+01, v5;
	v3 =	vshll.u32 v13, $0x4;
	[tilespmem:v15+s12+$0x0] =	vst.idx.add.f32.msk $0xffff, v2;
	(pc) =	sbr.rel @p0 .LBB2_3-.Ltmp2, $4  }
0x45: {  	v5 =	vtrunc.f32 v12;
	v12 =	vmul.f32 $1.000000000e+01, v7;
	v3 =	vor.u32 v1, v3;
	[tilespmem:v16+s12+$0x0] =	vst.idx.add.f32.msk $0xffff, v2  }
0x46: {  	v8 =	vtrunc.f32 v10;
	v13 =	vmul.f32 $1.000000000e+01, v6;
	[tilespmem:v11+s12+$0x0] =	vst.idx.add.f32.msk $0xffff, v2  }
0x47: {  	v7 =	vtrunc.f32 v9;
	v6 =	vtrunc.f32 v12;
	[tilespmem:v17+s12+$0x0] =	vst.idx.add.f32.msk $0xffff, v2  }
0x48: {  	s18 =	sadd.s32 $0x80, s18;
	v9 =	vcvt.f32.s32 v19;
	v10 =	vtrunc.f32 v13;
	[tilespmem:v18+s12+$0x0] =	vst.idx.add.f32.msk $0xffff, v2  }
0x49: {  	v10 =	vcvt.f32.s32 v10  }
0x4a: {  	v4 =	vcvt.f32.s32 v4;
	v9 =	vshll.u32 v9, $0x4  }
0x4b: {  	v5 =	vcvt.f32.s32 v5;
	v10 =	vshll.u32 v10, $0x4;
	v9 =	vor.u32 v1, v9  }
0x4c: {  	v8 =	vcvt.f32.s32 v8;
	v4 =	vshll.u32 v4, $0x4;
	v10 =	vor.u32 v1, v10  }
0x4d: {  	v7 =	vcvt.f32.s32 v7;
	v5 =	vshll.u32 v5, $0x4;
	v4 =	vor.u32 v1, v4  }
0x4e: {  	v6 =	vcvt.f32.s32 v6;
	v8 =	vshll.u32 v8, $0x4;
	v5 =	vor.u32 v1, v5  }
0x4f: {  	[tilespmem:v3+s12+$0x0] =	vst.idx.add.f32.msk $0xffff, v2;
	v3 =	vshll.u32 v7, $0x4;
	v7 =	vor.u32 v1, v8  }
0x50: {  	v6 =	vshll.u32 v6, $0x4;
	v3 =	vor.u32 v1, v3;
	[tilespmem:v9+s12+$0x0] =	vst.idx.add.f32.msk $0xffff, v2  }
0x51: {  	v6 =	vor.u32 v1, v6;
	[tilespmem:v10+s12+$0x0] =	vst.idx.add.f32.msk $0xffff, v2  }
0x52: {  	[tilespmem:v4+s12+$0x0] =	vst.idx.add.f32.msk $0xffff, v2  }
0x53: {  	s17 =	sshll.u32 s16, $0x10;
	p0 =	seq.s32 s16, $0x9;
	[tilespmem:v5+s12+$0x0] =	vst.idx.add.f32.msk $0xffff, v2  }
0x54: {  	s18 =	sadd.s32 @!p0 s17, s6;
	[tilespmem:v7+s12+$0x0] =	vst.idx.add.f32.msk $0xffff, v2  }
0x55: {  	s18 =	sshrl.u32 @!p0 s18, $0x3;
	[tilespmem:v3+s12+$0x0] =	vst.idx.add.f32.msk $0xffff, v2  }
0x56: {  	s19 =	simm.s32 @!p0 $0x0;
	s18 =	sadd.s32 @!p0 s2, s18;
	[tilespmem:v6+s12+$0x0] =	vst.idx.add.f32.msk $0xffff, v2  }
0x57: {  	[tilespmem:s19], [sflag:$0x1] =	stream.linear.gather @!p0 [hbm4b:s18+s19], $0x8000, $0x38;
	[tilespmem:$0x10100] =	vst v63  }
0x58: {  	_ =	swait.ge [sflag:s13], $0x8000  }
0x59: {  	[sflag:s13] =	ssyncset.done $0x0  }
0x5a: {  	s31 =	simm.s32 $0x8040;
	[sflag:s13] =	ssyncadd.s32 $0xFFFF8000  }
0x5b: {  	v3 =	vld [tilespmem:s31+$0x30]  }
0x5c: {  	v4 =	vld [tilespmem:s31+$0xFFFFFFD0]  }
0x5d: {  	v5 =	vld [tilespmem:s31+$0xFFFFFFE0]  }
0x5e: {  	v6 =	vld [tilespmem:s31+$0xFFFFFFF0]  }
0x5f: {  	v7 =	vld [tilespmem:s31+$0x0]  }
0x60: {  	v8 =	vld [tilespmem:s31+$0x10]  }
0x61: {  	v3 =	vmul.f32 $1.000000000e+01, v3  }
0x62: {  	v9 =	vld [tilespmem:s31+$0x20];
	v4 =	vmul.f32 $1.000000000e+01, v4  }
0x63: {  	v10 =	vld [tilespmem:s31+$0xFFFFFFC0];
	v5 =	vmul.f32 $1.000000000e+01, v5;
	v3 =	vtrunc.f32 v3  }
0x64: {  	v6 =	vmul.f32 $1.000000000e+01, v6;
	v3 =	vcvt.f32.s32 v3  }
0x65: {  	v7 =	vmul.f32 $1.000000000e+01, v7;
	v12 =	vmul.f32 $1.000000000e+01, v8  }
0x66: {  	v11 =	vtrunc.f32 v4;
	v4 =	vtrunc.f32 v5;
	v3 =	vshll.u32 v3, $0x4  }
0x67: {  	v5 =	vtrunc.f32 v6;
	v6 =	vmul.f32 $1.000000000e+01, v9;
	v3 =	vor.u32 v1, v3  }
0x68: {  	v9 =	vmul.f32 $1.000000000e+01, v10;
	v8 =	vtrunc.f32 v7  }
0x69: {  	v7 =	vtrunc.f32 v12;
	v6 =	vtrunc.f32 v6  }
0x6a: {  	s18 =	simm.s32 $0x0;
	s19 =	simm.s32 $0x80C0;
	v10 =	vtrunc.f32 v9;
	v9 =	vcvt.f32.s32 v11  }
.LBB2_5:
0x6b: {  	v11 =	vld [tilespmem:s19+$0x30];
	v10 =	vcvt.f32.s32 v10;
	v4 =	vcvt.f32.s32 v4  }
0x6c: {  	s18 =	sadd.s32 $0x80, s18;
	v5 =	vcvt.f32.s32 v5;
	v8 =	vcvt.f32.s32 v8;
	v9 =	vshll.u32 v9, $0x4;
	[tilespmem:v3+s12+$0x0] =	vst.idx.add.f32.msk $0xffff, v2  }
0x6d: {  	v7 =	vcvt.f32.s32 v7;
	v6 =	vcvt.f32.s32 v6;
	p1 =	slt.u32 s18, $0x7F80;
	v3 =	vld [tilespmem:s19+$0xFFFFFFD0];
	v10 =	vshll.u32 v10, $0x4  }
0x6e: {  	v4 =	vshll.u32 v4, $0x4;
	v5 =	vshll.u32 v5, $0x4;
	v8 =	vshll.u32 v8, $0x4;
	v12 =	vld [tilespmem:s19+$0xFFFFFFE0]  }
0x6f: {  	v7 =	vshll.u32 v7, $0x4;
	v6 =	vshll.u32 v6, $0x4;
	v10 =	vor.u32 v1, v10;
	v13 =	vld [tilespmem:s19+$0xFFFFFFF0]  }
0x70: {  	v9 =	vor.u32 v1, v9;
	v15 =	vor.u32 v1, v4;
	v16 =	vor.u32 v1, v5;
	v14 =	vld [tilespmem:s19+$0x0]  }
0x71: {  	v17 =	vor.u32 v1, v7;
	v4 =	vmul.f32 $1.000000000e+01, v11;
	v11 =	vor.u32 v1, v8;
	v5 =	vld [tilespmem:s19+$0x10]  }
0x72: {  	v18 =	vor.u32 v1, v6;
	v3 =	vmul.f32 $1.000000000e+01, v3;
	v7 =	vld [tilespmem:s19+$0x20]  }
0x73: {  	v4 =	vtrunc.f32 v4;
	v6 =	vld [tilespmem:s19+$0xFFFFFFC0];
	v8 =	vmul.f32 $1.000000000e+01, v12  }
0x74: {  	v12 =	vmul.f32 $1.000000000e+01, v13;
	v13 =	vcvt.f32.s32 v4;
	[tilespmem:v10+s12+$0x0] =	vst.idx.add.f32.msk $0xffff, v2  }
0x75: {  	v19 =	vtrunc.f32 v3;
	v10 =	vmul.f32 $1.000000000e+01, v14;
	[tilespmem:v9+s12+$0x0] =	vst.idx.add.f32.msk $0xffff, v2  }
.Ltmp3:
0x76: {  	v4 =	vtrunc.f32 v8;
	v9 =	vmul.f32 $1.000000000e+01, v5;
	v3 =	vshll.u32 v13, $0x4;
	[tilespmem:v15+s12+$0x0] =	vst.idx.add.f32.msk $0xffff, v2;
	(pc) =	sbr.rel @p1 .LBB2_5-.Ltmp3, $4  }
0x77: {  	v5 =	vtrunc.f32 v12;
	v12 =	vmul.f32 $1.000000000e+01, v7;
	v3 =	vor.u32 v1, v3;
	[tilespmem:v16+s12+$0x0] =	vst.idx.add.f32.msk $0xffff, v2  }
0x78: {  	v8 =	vtrunc.f32 v10;
	v13 =	vmul.f32 $1.000000000e+01, v6;
	[tilespmem:v11+s12+$0x0] =	vst.idx.add.f32.msk $0xffff, v2  }
0x79: {  	v7 =	vtrunc.f32 v9;
	v6 =	vtrunc.f32 v12;
	[tilespmem:v17+s12+$0x0] =	vst.idx.add.f32.msk $0xffff, v2  }
0x7a: {  	s19 =	sadd.s32 $0x80, s19;
	v9 =	vcvt.f32.s32 v19;
	v10 =	vtrunc.f32 v13;
	[tilespmem:v18+s12+$0x0] =	vst.idx.add.f32.msk $0xffff, v2  }
0x7b: {  	v10 =	vcvt.f32.s32 v10  }
0x7c: {  	v4 =	vcvt.f32.s32 v4;
	v9 =	vshll.u32 v9, $0x4  }
0x7d: {  	v5 =	vcvt.f32.s32 v5;
	v10 =	vshll.u32 v10, $0x4;
	v9 =	vor.u32 v1, v9  }
0x7e: {  	v8 =	vcvt.f32.s32 v8;
	v4 =	vshll.u32 v4, $0x4;
	v10 =	vor.u32 v1, v10  }
0x7f: {  	v7 =	vcvt.f32.s32 v7;
	v5 =	vshll.u32 v5, $0x4;
	v4 =	vor.u32 v1, v4  }
0x80: {  	v6 =	vcvt.f32.s32 v6;
	v8 =	vshll.u32 v8, $0x4;
	v5 =	vor.u32 v1, v5  }
0x81: {  	[tilespmem:v3+s12+$0x0] =	vst.idx.add.f32.msk $0xffff, v2;
	v3 =	vshll.u32 v7, $0x4;
	v63 =	vor.u32 v1, v8  }
0x82: {  	v6 =	vshll.u32 v6, $0x4;
	v3 =	vor.u32 v1, v3;
	[tilespmem:v9+s12+$0x0] =	vst.idx.add.f32.msk $0xffff, v2  }
0x83: {  	v6 =	vor.u32 v1, v6;
	[tilespmem:v10+s12+$0x0] =	vst.idx.add.f32.msk $0xffff, v2  }
.Ltmp4:
0x84: {  	[tilespmem:v4+s12+$0x0] =	vst.idx.add.f32.msk $0xffff, v2;
	(pc) =	sbr.rel @p0 .LBB2_8-.Ltmp4, $4  }
0x85: {  	[tilespmem:v5+s12+$0x0] =	vst.idx.add.f32.msk $0xffff, v2  }
0x86: {  	[tilespmem:v63+s12+$0x0] =	vst.idx.add.f32.msk $0xffff, v2  }
0x87: {  	[tilespmem:v3+s12+$0x0] =	vst.idx.add.f32.msk $0xffff, v2  }
0x88: {  	[tilespmem:v6+s12+$0x0] =	vst.idx.add.f32.msk $0xffff, v2  }
.Ltmp5:
0x89: {  	(pc) =	sbr.rel .LBB2_2-.Ltmp5, $4  }
0x8a: {  	s17 =	sadd.s32 s17, s7  }
0x8b: {  	s17 =	sshrl.u32 s17, $0x3  }
0x8c: {  	s16 =	sadd.s32 $0x1, s16;
	s17 =	sadd.s32 s2, s17  }
0x8d: {  	[tilespmem:s10], [sflag:$0x2] =	stream.linear.gather [hbm4b:s17+s3], $0x8000, $0x38;
	[tilespmem:$0x10100] =	vst v63  }
.LBB2_9:
0x8e: {  	_ =	sfence.sel $0x180000  }
0x8f: {  	[bflag:$0x0] =	sbarrier.arrive $0xFFFF  }
0x90: {  	p0 =	sne.s32 s0, $0x0;
	_ =	strace $0x90000047  }
0x91: {  	s0 =	sadd.s32 @!p0 $0x100000, s1;
	[bflag:$0x2] =	sbarrier.arrive $0xFFFF  }
0x92: {  	[sflag:s0] =	ssyncadd.tile.s32 @!p0 $0x1;
	_ =	shalt  }
.Lfunc_end2:
_tile_overlayer_lowered:
.L_overlay_start_2:
0x93: {  	(tag) =	ssettag $0x2  }
0x94: {  	s0 =	rddreg [dreg:$0x0];
	s2 =	stileid.u32  }
0x95: {  	s1 =	rddreg [dreg:$0x1];
	p0 =	sne.s32 s2, $0x0  }
0x96: {  	s3 =	rddreg [dreg:$0x2];
	[bflag:$0x3] =	sbarrier.arrive $0xFFFF;
	s2 =	simm.s32 @!p0 $0x1C03  }
0x97: {  	[timem:s3], [sflag:s2] =	dma.local @!p0 [hbm:s0], s1  }
0x98: {  	s0 =	simm.s32 @!p0 $0x3  }
0x99: {  	_ =	swait.ge @!p0 [sflag:s0], s1  }
0x9a: {  	s1 =	ssub.s32 @!p0 $0x0, s1;
	[sflag:s0] =	ssyncset.done @!p0 $0x0  }
0x9b: {  	[sflag:s0] =	ssyncadd.s32 @!p0 s1  }
0x9c: {  	[bflag:$0x3] =	sbarrier.arrive $0xFFFF  }
0x9d: {  	_ =	shalt  }

</sc_bundles>
